<compile_context>
chip_gen: v7x
topology: tpu7x:2x2x1
jax: 0.10.2.dev20260603
libtpu: 0.0.44.dev20260713+nightly
codegen_flags: <defaults>
</compile_context>

<pallas_src>
import functools

import jax
import jax.numpy as jnp
from jax import lax
from jax.experimental import pallas as pl
from jax.experimental.pallas import tpu as pltpu
from jax.experimental.pallas import tpu_sc as plsc

_N = 10000
_E = 320000
_D = 128
_G = 64
_C = 10

_NC = 2
_NS = 16
_NW = _NC * _NS
_EW = _E // _NW
_CH = 80
_NCHUNK = _EW // _CH
_NP = 10240
_RT = _NP // _NS


@functools.cache
def _build_edge_agg():
    mesh = plsc.VectorSubcoreMesh(core_axis_name="c", subcore_axis_name="s")
    return pl.kernel(
        _edge_agg_body,
        out_type=jax.ShapeDtypeStruct((_NC * _NP, _D), jnp.float32),
        mesh=mesh,
        scratch_types=[
            [pltpu.VMEM((_CH,), jnp.int32)] * 8,
            [pltpu.VMEM((_CH,), jnp.int32)] * 8,
            [pltpu.VMEM((_CH, _D), jnp.float32)] * 4,
            pltpu.VMEM_SHARED((_NP, _D), jnp.float32),
            [pltpu.SemaphoreType.DMA] * 8,
            [pltpu.SemaphoreType.DMA] * 4,
            [pltpu.SemaphoreType.DMA] * 4,
        ],
    )


def _edge_agg_body(x_hbm, src_hbm, dst_hbm, zero_hbm, out_hbm,
                   squf, dquf, rows, acc_sh, semi, semg, sems):
    c = lax.axis_index("c")
    s = lax.axis_index("s")
    wid = s * _NC + c
    ebase = wid * _EW

    def idx_start(ci, q):
        pltpu.async_copy(src_hbm.at[pl.ds(ebase + ci * _CH, _CH)],
                         squf[q], semi[q])
        pltpu.async_copy(dst_hbm.at[pl.ds(ebase + ci * _CH, _CH)],
                         dquf[q], semi[q])

    def idx_wait(ci, q):
        pltpu.make_async_copy(src_hbm.at[pl.ds(ebase + ci * _CH, _CH)],
                              squf[q], semi[q]).wait()
        pltpu.make_async_copy(dst_hbm.at[pl.ds(ebase + ci * _CH, _CH)],
                              dquf[q], semi[q]).wait()

    def gather_start(r, q):
        pltpu.async_copy(x_hbm.at[squf[q]], rows[r], semg[r])

    def gather_wait(r, q):
        pltpu.make_async_copy(x_hbm.at[squf[q]], rows[r], semg[r]).wait()

    def scatter_start(r, q):
        pltpu.async_copy(rows[r], acc_sh.at[dquf[q]], sems[r], add=True)

    def scatter_wait(r, q):
        pltpu.make_async_copy(rows[r], acc_sh.at[dquf[q]], sems[r]).wait()

    for k in range(3):
        idx_start(k, k)
    pltpu.sync_copy(zero_hbm, acc_sh.at[pl.ds(s * _RT, _RT)])
    for k in range(3):
        idx_wait(k, k)
        gather_start(k % 4, k)
    plsc.subcore_barrier()

    def chunk_step(i, u):
        r = u % 4
        q = u % 8
        q3 = (u + 3) % 8
        r3 = (u + 3) % 4
        qm1 = (u + 7) % 8

        @pl.when(i < _NCHUNK)
        def _process():
            gather_wait(r, q)

            @pl.when(i + 3 < _NCHUNK)
            def _prefetch_idx():
                idx_start(i + 3, q3)

            scatter_start(r, q)

            @pl.when(i + 3 < _NCHUNK)
            def _next_gather():
                @pl.when(i > 0)
                def _drain_prev():
                    scatter_wait(r3, qm1)
                idx_wait(i + 3, q3)
                gather_start(r3, q3)

    def body(j, carry):
        for u in range(8):
            chunk_step(8 * j + u, u)
        return carry

    lax.fori_loop(0, (_NCHUNK + 7) // 8, body, 0)

    for ci in range(_NCHUNK - 4, _NCHUNK):
        scatter_wait(ci % 4, ci % 8)

    plsc.subcore_barrier()
    pltpu.sync_copy(acc_sh.at[pl.ds(s * _RT, _RT)],
                    out_hbm.at[pl.ds(c * _NP + s * _RT, _RT)])


_BLK = 1280
_NB = _NP // _BLK


def _dense_body(parts_ref, gid_ref, wg_ref, bg_ref, wm_ref, bm_ref,
                out_ref, gsum_ref):
    i = pl.program_id(0)
    agg = parts_ref[0] + parts_ref[1]
    nr = jnp.maximum(
        jnp.dot(agg, wg_ref[...], preferred_element_type=jnp.float32)
        + bg_ref[...], 0.0)
    gid = gid_ref[0, 0, :]
    onehot = (lax.broadcasted_iota(jnp.int32, (_G, _BLK), 0)
              == gid[None, :]).astype(jnp.float32)
    part = jnp.dot(onehot, nr, preferred_element_type=jnp.float32)

    @pl.when(i == 0)
    def _init():
        gsum_ref[...] = part

    @pl.when(i > 0)
    def _acc():
        gsum_ref[...] += part

    @pl.when(i == _NB - 1)
    def _fin():
        out_ref[...] = (jnp.dot(gsum_ref[...], wm_ref[...],
                                preferred_element_type=jnp.float32)
                        + bm_ref[...])


def _dense(parts, gids3, W_gnn, b_gnn, W_mlp, b_mlp):
    return pl.pallas_call(
        _dense_body,
        grid=(_NB,),
        in_specs=[
            pl.BlockSpec((2, _BLK, _D), lambda i: (0, i, 0)),
            pl.BlockSpec((1, 1, _BLK), lambda i: (i, 0, 0)),
            pl.BlockSpec((_D, _D), lambda i: (0, 0)),
            pl.BlockSpec((1, _D), lambda i: (0, 0)),
            pl.BlockSpec((_D, _C), lambda i: (0, 0)),
            pl.BlockSpec((1, _C), lambda i: (0, 0)),
        ],
        out_specs=pl.BlockSpec((_G, _C), lambda i: (0, 0)),
        out_shape=jax.ShapeDtypeStruct((_G, _C), jnp.float32),
        scratch_shapes=[pltpu.VMEM((_G, _D), jnp.float32)],
        compiler_params=pltpu.CompilerParams(
            dimension_semantics=("arbitrary",)),
    )(parts, gids3, W_gnn, b_gnn, W_mlp, b_mlp)


def kernel(x, edge_index, graph_ids, W_gnn, b_gnn, W_mlp, b_mlp):
    src = edge_index[0].astype(jnp.int32)
    dst = edge_index[1].astype(jnp.int32)
    zero = jnp.zeros((_RT, _D), jnp.float32)
    parts = _build_edge_agg()(x, src, dst, zero)
    parts = parts.reshape(_NC, _NP, _D)
    gids = jnp.concatenate([graph_ids.astype(jnp.int32),
                            jnp.full((_NP - _N,), -1, jnp.int32)])
    gids3 = gids.reshape(_NB, 1, _BLK)
    return _dense(parts, gids3, W_gnn,
                  b_gnn.reshape(1, _D), W_mlp, b_mlp.reshape(1, _C))

# --- scband reference (transcript-rebuilt; emitter-appended) ---
"""Pipeline reference for scband-graph-classifier-63393717289269 (READ-ONLY COPY).

The authoritative reference and input builder live on the scoring server;
editing this copy changes nothing except your own understanding.
"""

import jax, jax.numpy as jnp
import numpy as np

N_NODES = 10000
N_EDGES = 320000
D = 128
NUM_GRAPHS = 64
NUM_CLASSES = 10

def setup_inputs(seed: int = 0) -> dict:
    key = jax.random.key(seed)
    k1, k2, k3, k4, k5, k6, k7 = jax.random.split(key, 7)
    x = jax.random.normal(k1, (N_NODES, D), dtype=jnp.float32)
    edge_index = jax.random.randint(k2, (2, N_EDGES), 0, N_NODES, dtype=jnp.int64)
    graph_ids = jnp.sort(jax.random.randint(k3, (N_NODES,), 0, NUM_GRAPHS, dtype=jnp.int64))
    W_gnn = jax.random.normal(k4, (D, D), dtype=jnp.float32) * (1.0 / np.sqrt(D))
    b_gnn = jnp.zeros((D,), dtype=jnp.float32)
    W_mlp = jax.random.normal(k5, (D, NUM_CLASSES), dtype=jnp.float32) * (1.0 / np.sqrt(D))
    b_mlp = jnp.zeros((NUM_CLASSES,), dtype=jnp.float32)
    return {"x": x, "edge_index": edge_index, "graph_ids": graph_ids,
            "W_gnn": W_gnn, "b_gnn": b_gnn, "W_mlp": W_mlp, "b_mlp": b_mlp}

def reference(x, edge_index, graph_ids, W_gnn, b_gnn, W_mlp, b_mlp):
    # self.gnn(g): one message-passing layer (gather src features, scatter-add to dst, linear+relu)
    src = edge_index[0]
    dst = edge_index[1]
    msgs = jnp.take(x, src, axis=0)
    agg = jax.ops.segment_sum(msgs, dst, num_segments=N_NODES)
    node_repr = jax.nn.relu(agg @ W_gnn + b_gnn)
    # pool_from_graph: dgl.sum_nodes == segment-sum of node reprs by graph membership
    g_sum = jax.ops.segment_sum(node_repr, graph_ids, num_segments=NUM_GRAPHS)
    # self.mlp_graph: MLPLayers(1, [emb_dim, num_classes]) == single linear layer
    logits = g_sum @ W_mlp + b_mlp
    return logits

if __name__ == "__main__":
    import jax
    _d = setup_inputs()
    print(jax.jit(kernel)(*tuple(_d.values())))

</pallas_src>

<mosaic_0001>
#map = affine_map<(d0, d1) -> (0, 0)>
#map1 = affine_map<(d0, d1) -> (0)>
module attributes {stable_mosaic.version = 14 : i64} {
  func.func @_edge_agg_body(%arg0: i32, %arg1: i32, %arg2: memref<10000x128xf32, #tpu.memory_space<hbm>>, %arg3: memref<320000xi32, #tpu.memory_space<hbm>>, %arg4: memref<320000xi32, #tpu.memory_space<hbm>>, %arg5: memref<640x128xf32, #tpu.memory_space<hbm>>, %arg6: memref<20480x128xf32, #tpu.memory_space<hbm>>, %arg7: memref<80xi32, #tpu.memory_space<vmem>>, %arg8: memref<80xi32, #tpu.memory_space<vmem>>, %arg9: memref<80xi32, #tpu.memory_space<vmem>>, %arg10: memref<80xi32, #tpu.memory_space<vmem>>, %arg11: memref<80xi32, #tpu.memory_space<vmem>>, %arg12: memref<80xi32, #tpu.memory_space<vmem>>, %arg13: memref<80xi32, #tpu.memory_space<vmem>>, %arg14: memref<80xi32, #tpu.memory_space<vmem>>, %arg15: memref<80xi32, #tpu.memory_space<vmem>>, %arg16: memref<80xi32, #tpu.memory_space<vmem>>, %arg17: memref<80xi32, #tpu.memory_space<vmem>>, %arg18: memref<80xi32, #tpu.memory_space<vmem>>, %arg19: memref<80xi32, #tpu.memory_space<vmem>>, %arg20: memref<80xi32, #tpu.memory_space<vmem>>, %arg21: memref<80xi32, #tpu.memory_space<vmem>>, %arg22: memref<80xi32, #tpu.memory_space<vmem>>, %arg23: memref<80x128xf32, #tpu.memory_space<vmem>>, %arg24: memref<80x128xf32, #tpu.memory_space<vmem>>, %arg25: memref<80x128xf32, #tpu.memory_space<vmem>>, %arg26: memref<80x128xf32, #tpu.memory_space<vmem>>, %arg27: memref<10240x128xf32, #tpu.memory_space<vmem_shared>>, %arg28: memref<!tpu.dma_semaphore, #tpu.memory_space<semaphore_mem>>, %arg29: memref<!tpu.dma_semaphore, #tpu.memory_space<semaphore_mem>>, %arg30: memref<!tpu.dma_semaphore, #tpu.memory_space<semaphore_mem>>, %arg31: memref<!tpu.dma_semaphore, #tpu.memory_space<semaphore_mem>>, %arg32: memref<!tpu.dma_semaphore, #tpu.memory_space<semaphore_mem>>, %arg33: memref<!tpu.dma_semaphore, #tpu.memory_space<semaphore_mem>>, %arg34: memref<!tpu.dma_semaphore, #tpu.memory_space<semaphore_mem>>, %arg35: memref<!tpu.dma_semaphore, #tpu.memory_space<semaphore_mem>>, %arg36: memref<!tpu.dma_semaphore, #tpu.memory_space<semaphore_mem>>, %arg37: memref<!tpu.dma_semaphore, #tpu.memory_space<semaphore_mem>>, %arg38: memref<!tpu.dma_semaphore, #tpu.memory_space<semaphore_mem>>, %arg39: memref<!tpu.dma_semaphore, #tpu.memory_space<semaphore_mem>>, %arg40: memref<!tpu.dma_semaphore, #tpu.memory_space<semaphore_mem>>, %arg41: memref<!tpu.dma_semaphore, #tpu.memory_space<semaphore_mem>>, %arg42: memref<!tpu.dma_semaphore, #tpu.memory_space<semaphore_mem>>, %arg43: memref<!tpu.dma_semaphore, #tpu.memory_space<semaphore_mem>>) attributes {dimension_semantics = [#tpu.dimension_semantics<core_parallel>, #tpu.dimension_semantics<subcore_parallel>], iteration_bounds = array<i64: 2, 16>, scalar_prefetch = 0 : i64, scratch_operands = 37 : i64, tpu.core_type = #tpu.core_type<sc_vector_subcore>, window_params = [{transform_indices = #map}, {transform_indices = #map1}, {transform_indices = #map1}, {transform_indices = #map}, {transform_indices = #map}]} {
    %mul3A = arith.constant 2 : i32
    %mul3A_0 = arith.muli %arg1, %mul3A : i32
    %add3A = arith.addi %mul3A_0, %arg0 : i32
    %mul3A_1 = arith.constant 10000 : i32
    %mul3A_2 = arith.muli %add3A, %mul3A_1 : i32
    %add3A_3 = arith.constant 0 : i32
    %add3A_4 = arith.addi %mul3A_2, %add3A_3 : i32
    %dma_start3A = tpu.memref_slice %arg3[%add3A_4] : memref<320000xi32, #tpu.memory_space<hbm>> -> memref<80xi32, #tpu.memory_space<hbm>>
    %dma_start3A_5 = tpu.memref_slice %arg3[%add3A_4] : memref<320000xi32, #tpu.memory_space<hbm>> -> memref<80xi32, #tpu.memory_space<hbm>>
    tpu.enqueue_dma source(%dma_start3A_5 : memref<80xi32, #tpu.memory_space<hbm>>) target(%arg7 : memref<80xi32, #tpu.memory_space<vmem>>) target_semaphore(%arg28 : memref<!tpu.dma_semaphore, #tpu.memory_space<semaphore_mem>>)
    %add3A_6 = arith.constant 0 : i32
    %add3A_7 = arith.addi %mul3A_2, %add3A_6 : i32
    %dma_start3A_8 = tpu.memref_slice %arg4[%add3A_7] : memref<320000xi32, #tpu.memory_space<hbm>> -> memref<80xi32, #tpu.memory_space<hbm>>
    %dma_start3A_9 = tpu.memref_slice %arg4[%add3A_7] : memref<320000xi32, #tpu.memory_space<hbm>> -> memref<80xi32, #tpu.memory_space<hbm>>
    tpu.enqueue_dma source(%dma_start3A_9 : memref<80xi32, #tpu.memory_space<hbm>>) target(%arg15 : memref<80xi32, #tpu.memory_space<vmem>>) target_semaphore(%arg28 : memref<!tpu.dma_semaphore, #tpu.memory_space<semaphore_mem>>)
    %add3A_10 = arith.constant 80 : i32
    %add3A_11 = arith.addi %mul3A_2, %add3A_10 : i32
    %dma_start3A_12 = tpu.memref_slice %arg3[%add3A_11] : memref<320000xi32, #tpu.memory_space<hbm>> -> memref<80xi32, #tpu.memory_space<hbm>>
    %dma_start3A_13 = tpu.memref_slice %arg3[%add3A_11] : memref<320000xi32, #tpu.memory_space<hbm>> -> memref<80xi32, #tpu.memory_space<hbm>>
    tpu.enqueue_dma source(%dma_start3A_13 : memref<80xi32, #tpu.memory_space<hbm>>) target(%arg8 : memref<80xi32, #tpu.memory_space<vmem>>) target_semaphore(%arg29 : memref<!tpu.dma_semaphore, #tpu.memory_space<semaphore_mem>>)
    %add3A_14 = arith.constant 80 : i32
    %add3A_15 = arith.addi %mul3A_2, %add3A_14 : i32
    %dma_start3A_16 = tpu.memref_slice %arg4[%add3A_15] : memref<320000xi32, #tpu.memory_space<hbm>> -> memref<80xi32, #tpu.memory_space<hbm>>
    %dma_start3A_17 = tpu.memref_slice %arg4[%add3A_15] : memref<320000xi32, #tpu.memory_space<hbm>> -> memref<80xi32, #tpu.memory_space<hbm>>
    tpu.enqueue_dma source(%dma_start3A_17 : memref<80xi32, #tpu.memory_space<hbm>>) target(%arg16 : memref<80xi32, #tpu.memory_space<vmem>>) target_semaphore(%arg29 : memref<!tpu.dma_semaphore, #tpu.memory_space<semaphore_mem>>)
    %add3A_18 = arith.constant 160 : i32
    %add3A_19 = arith.addi %mul3A_2, %add3A_18 : i32
    %dma_start3A_20 = tpu.memref_slice %arg3[%add3A_19] : memref<320000xi32, #tpu.memory_space<hbm>> -> memref<80xi32, #tpu.memory_space<hbm>>
    %dma_start3A_21 = tpu.memref_slice %arg3[%add3A_19] : memref<320000xi32, #tpu.memory_space<hbm>> -> memref<80xi32, #tpu.memory_space<hbm>>
    tpu.enqueue_dma source(%dma_start3A_21 : memref<80xi32, #tpu.memory_space<hbm>>) target(%arg9 : memref<80xi32, #tpu.memory_space<vmem>>) target_semaphore(%arg30 : memref<!tpu.dma_semaphore, #tpu.memory_space<semaphore_mem>>)
    %add3A_22 = arith.constant 160 : i32
    %add3A_23 = arith.addi %mul3A_2, %add3A_22 : i32
    %dma_start3A_24 = tpu.memref_slice %arg4[%add3A_23] : memref<320000xi32, #tpu.memory_space<hbm>> -> memref<80xi32, #tpu.memory_space<hbm>>
    %dma_start3A_25 = tpu.memref_slice %arg4[%add3A_23] : memref<320000xi32, #tpu.memory_space<hbm>> -> memref<80xi32, #tpu.memory_space<hbm>>
    tpu.enqueue_dma source(%dma_start3A_25 : memref<80xi32, #tpu.memory_space<hbm>>) target(%arg17 : memref<80xi32, #tpu.memory_space<vmem>>) target_semaphore(%arg30 : memref<!tpu.dma_semaphore, #tpu.memory_space<semaphore_mem>>)
    %mul3A_26 = arith.constant 640 : i32
    %mul3A_27 = arith.muli %arg1, %mul3A_26 : i32
    "tpu.region"() ({
      %run_scoped3A = tpu.sem_alloc : memref<!tpu.dma_semaphore, #tpu.memory_space<semaphore_mem>>
      %dma_start3A_85 = arith.constant 0 : i32
      %dma_start3A_86 = tpu.memref_slice %arg27[%mul3A_27, %dma_start3A_85] : memref<10240x128xf32, #tpu.memory_space<vmem_shared>> -> memref<640x128xf32, #tpu.memory_space<vmem_shared>>
      tpu.enqueue_dma source(%arg5 : memref<640x128xf32, #tpu.memory_space<hbm>>) target(%dma_start3A_86 : memref<640x128xf32, #tpu.memory_space<vmem_shared>>) target_semaphore(%run_scoped3A : memref<!tpu.dma_semaphore, #tpu.memory_space<semaphore_mem>>)
      %dma_wait3A_87 = arith.constant 0 : i32
      %dma_wait3A_88 = tpu.memref_slice %arg27[%mul3A_27, %dma_wait3A_87] : memref<10240x128xf32, #tpu.memory_space<vmem_shared>> -> memref<640x128xf32, #tpu.memory_space<vmem_shared>>
      tpu.wait_dma2 semaphore(%run_scoped3A : memref<!tpu.dma_semaphore, #tpu.memory_space<semaphore_mem>>) src(%arg5 : memref<640x128xf32, #tpu.memory_space<hbm>>) dst(%dma_wait3A_88 : memref<640x128xf32, #tpu.memory_space<vmem_shared>>)
      tpu.yield
    }) : () -> ()
    %add3A_28 = arith.constant 0 : i32
    %add3A_29 = arith.addi %mul3A_2, %add3A_28 : i32
    %dma_wait3A = tpu.memref_slice %arg3[%add3A_29] : memref<320000xi32, #tpu.memory_space<hbm>> -> memref<80xi32, #tpu.memory_space<hbm>>
    %dma_wait3A_30 = tpu.memref_slice %arg3[%add3A_29] : memref<320000xi32, #tpu.memory_space<hbm>> -> memref<80xi32, #tpu.memory_space<hbm>>
    tpu.wait_dma2 semaphore(%arg28 : memref<!tpu.dma_semaphore, #tpu.memory_space<semaphore_mem>>) src(%dma_wait3A_30 : memref<80xi32, #tpu.memory_space<hbm>>) dst(%arg7 : memref<80xi32, #tpu.memory_space<vmem>>)
    %add3A_31 = arith.constant 0 : i32
    %add3A_32 = arith.addi %mul3A_2, %add3A_31 : i32
    %dma_wait3A_33 = tpu.memref_slice %arg4[%add3A_32] : memref<320000xi32, #tpu.memory_space<hbm>> -> memref<80xi32, #tpu.memory_space<hbm>>
    %dma_wait3A_34 = tpu.memref_slice %arg4[%add3A_32] : memref<320000xi32, #tpu.memory_space<hbm>> -> memref<80xi32, #tpu.memory_space<hbm>>
    tpu.wait_dma2 semaphore(%arg28 : memref<!tpu.dma_semaphore, #tpu.memory_space<semaphore_mem>>) src(%dma_wait3A_34 : memref<80xi32, #tpu.memory_space<hbm>>) dst(%arg15 : memref<80xi32, #tpu.memory_space<vmem>>)
    %dma_start3A_35 = arith.constant 0 : i32
    %dma_start3A_36 = arith.constant 0 : i32
    %dma_start3A_37 = tpu.memref_slice %arg2[%dma_start3A_35, %dma_start3A_36] : memref<10000x128xf32, #tpu.memory_space<hbm>> -> memref<10000x128xf32, #tpu.memory_space<hbm>>
    tpu.enqueue_indirect_dma source(%dma_start3A_37 : memref<10000x128xf32, #tpu.memory_space<hbm>>) target(%arg23 : memref<80x128xf32, #tpu.memory_space<vmem>>) offsets(%arg7 : memref<80xi32, #tpu.memory_space<vmem>>) semaphore(%arg36 : memref<!tpu.dma_semaphore, #tpu.memory_space<semaphore_mem>>)
    %add3A_38 = arith.constant 80 : i32
    %add3A_39 = arith.addi %mul3A_2, %add3A_38 : i32
    %dma_wait3A_40 = tpu.memref_slice %arg3[%add3A_39] : memref<320000xi32, #tpu.memory_space<hbm>> -> memref<80xi32, #tpu.memory_space<hbm>>
    %dma_wait3A_41 = tpu.memref_slice %arg3[%add3A_39] : memref<320000xi32, #tpu.memory_space<hbm>> -> memref<80xi32, #tpu.memory_space<hbm>>
    tpu.wait_dma2 semaphore(%arg29 : memref<!tpu.dma_semaphore, #tpu.memory_space<semaphore_mem>>) src(%dma_wait3A_41 : memref<80xi32, #tpu.memory_space<hbm>>) dst(%arg8 : memref<80xi32, #tpu.memory_space<vmem>>)
    %add3A_42 = arith.constant 80 : i32
    %add3A_43 = arith.addi %mul3A_2, %add3A_42 : i32
    %dma_wait3A_44 = tpu.memref_slice %arg4[%add3A_43] : memref<320000xi32, #tpu.memory_space<hbm>> -> memref<80xi32, #tpu.memory_space<hbm>>
    %dma_wait3A_45 = tpu.memref_slice %arg4[%add3A_43] : memref<320000xi32, #tpu.memory_space<hbm>> -> memref<80xi32, #tpu.memory_space<hbm>>
    tpu.wait_dma2 semaphore(%arg29 : memref<!tpu.dma_semaphore, #tpu.memory_space<semaphore_mem>>) src(%dma_wait3A_45 : memref<80xi32, #tpu.memory_space<hbm>>) dst(%arg16 : memref<80xi32, #tpu.memory_space<vmem>>)
    %dma_start3A_46 = arith.constant 0 : i32
    %dma_start3A_47 = arith.constant 0 : i32
    %dma_start3A_48 = tpu.memref_slice %arg2[%dma_start3A_46, %dma_start3A_47] : memref<10000x128xf32, #tpu.memory_space<hbm>> -> memref<10000x128xf32, #tpu.memory_space<hbm>>
    tpu.enqueue_indirect_dma source(%dma_start3A_48 : memref<10000x128xf32, #tpu.memory_space<hbm>>) target(%arg24 : memref<80x128xf32, #tpu.memory_space<vmem>>) offsets(%arg8 : memref<80xi32, #tpu.memory_space<vmem>>) semaphore(%arg37 : memref<!tpu.dma_semaphore, #tpu.memory_space<semaphore_mem>>)
    %add3A_49 = arith.constant 160 : i32
    %add3A_50 = arith.addi %mul3A_2, %add3A_49 : i32
    %dma_wait3A_51 = tpu.memref_slice %arg3[%add3A_50] : memref<320000xi32, #tpu.memory_space<hbm>> -> memref<80xi32, #tpu.memory_space<hbm>>
    %dma_wait3A_52 = tpu.memref_slice %arg3[%add3A_50] : memref<320000xi32, #tpu.memory_space<hbm>> -> memref<80xi32, #tpu.memory_space<hbm>>
    tpu.wait_dma2 semaphore(%arg30 : memref<!tpu.dma_semaphore, #tpu.memory_space<semaphore_mem>>) src(%dma_wait3A_52 : memref<80xi32, #tpu.memory_space<hbm>>) dst(%arg9 : memref<80xi32, #tpu.memory_space<vmem>>)
    %add3A_53 = arith.constant 160 : i32
    %add3A_54 = arith.addi %mul3A_2, %add3A_53 : i32
    %dma_wait3A_55 = tpu.memref_slice %arg4[%add3A_54] : memref<320000xi32, #tpu.memory_space<hbm>> -> memref<80xi32, #tpu.memory_space<hbm>>
    %dma_wait3A_56 = tpu.memref_slice %arg4[%add3A_54] : memref<320000xi32, #tpu.memory_space<hbm>> -> memref<80xi32, #tpu.memory_space<hbm>>
    tpu.wait_dma2 semaphore(%arg30 : memref<!tpu.dma_semaphore, #tpu.memory_space<semaphore_mem>>) src(%dma_wait3A_56 : memref<80xi32, #tpu.memory_space<hbm>>) dst(%arg17 : memref<80xi32, #tpu.memory_space<vmem>>)
    %dma_start3A_57 = arith.constant 0 : i32
    %dma_start3A_58 = arith.constant 0 : i32
    %dma_start3A_59 = tpu.memref_slice %arg2[%dma_start3A_57, %dma_start3A_58] : memref<10000x128xf32, #tpu.memory_space<hbm>> -> memref<10000x128xf32, #tpu.memory_space<hbm>>
    tpu.enqueue_indirect_dma source(%dma_start3A_59 : memref<10000x128xf32, #tpu.memory_space<hbm>>) target(%arg25 : memref<80x128xf32, #tpu.memory_space<vmem>>) offsets(%arg9 : memref<80xi32, #tpu.memory_space<vmem>>) semaphore(%arg38 : memref<!tpu.dma_semaphore, #tpu.memory_space<semaphore_mem>>)
    %barrier3A = arith.constant 0 : index
    tpu.barrier barrier_id(%barrier3A)
    %scan3A = arith.constant 0 : i32
    %scan3A_60 = arith.constant 0 : i32
    %scan3A_61 = arith.constant 16 : i32
    %scan3A_62 = arith.addi %scan3A_60, %scan3A_61 : i32
    %scan3A_63 = arith.constant 1 : i32
    scf.for %scan3A_85 = %scan3A_60 to %scan3A_62 step %scan3A_63  : i32 {
      %mul3A_86 = arith.constant 8 : i32
      %mul3A_87 = arith.muli %mul3A_86, %scan3A_85 : i32
      %add3A_88 = arith.constant 0 : i32
      %add3A_89 = arith.addi %mul3A_87, %add3A_88 : i32
      %lt3A = arith.constant 125 : i32
      %lt3A_90 = arith.cmpi slt, %add3A_89, %lt3A : i32
      %convert_element_type3A = arith.extui %lt3A_90 : i1 to i32
      %cond3A = arith.constant 0 : i32
      %cond3A_91 = arith.cmpi ne, %convert_element_type3A, %cond3A : i32
      scf.if %cond3A_91 {
        %dma_wait3A_155 = arith.constant 0 : i32
        %dma_wait3A_156 = arith.constant 0 : i32
        %dma_wait3A_157 = tpu.memref_slice %arg2[%dma_wait3A_155, %dma_wait3A_156] : memref<10000x128xf32, #tpu.memory_space<hbm>> -> memref<10000x128xf32, #tpu.memory_space<hbm>>
        tpu.wait_indirect_dma semaphore(%arg36 : memref<!tpu.dma_semaphore, #tpu.memory_space<semaphore_mem>>) src(%dma_wait3A_157 : memref<10000x128xf32, #tpu.memory_space<hbm>>) dst(%arg23 : memref<80x128xf32, #tpu.memory_space<vmem>>)
        %add3A_158 = arith.constant 3 : i32
        %add3A_159 = arith.addi %add3A_89, %add3A_158 : i32
        %lt3A_160 = arith.constant 125 : i32
        %lt3A_161 = arith.cmpi slt, %add3A_159, %lt3A_160 : i32
        %convert_element_type3A_162 = arith.extui %lt3A_161 : i1 to i32
        %cond3A_163 = arith.constant 0 : i32
        %cond3A_164 = arith.cmpi ne, %convert_element_type3A_162, %cond3A_163 : i32
        scf.if %cond3A_164 {
          %add3A_175 = arith.constant 3 : i32
          %add3A_176 = arith.addi %add3A_89, %add3A_175 : i32
          %mul3A_177 = arith.constant 80 : i32
          %mul3A_178 = arith.muli %add3A_176, %mul3A_177 : i32
          %add3A_179 = arith.addi %mul3A_2, %mul3A_178 : i32
          %dma_start3A_180 = tpu.memref_slice %arg3[%add3A_179] : memref<320000xi32, #tpu.memory_space<hbm>> -> memref<80xi32, #tpu.memory_space<hbm>>
          %dma_start3A_181 = tpu.memref_slice %arg3[%add3A_179] : memref<320000xi32, #tpu.memory_space<hbm>> -> memref<80xi32, #tpu.memory_space<hbm>>
          tpu.enqueue_dma source(%dma_start3A_181 : memref<80xi32, #tpu.memory_space<hbm>>) target(%arg10 : memref<80xi32, #tpu.memory_space<vmem>>) target_semaphore(%arg31 : memref<!tpu.dma_semaphore, #tpu.memory_space<semaphore_mem>>)
          %mul3A_182 = arith.constant 80 : i32
          %mul3A_183 = arith.muli %add3A_176, %mul3A_182 : i32
          %add3A_184 = arith.addi %mul3A_2, %mul3A_183 : i32
          %dma_start3A_185 = tpu.memref_slice %arg4[%add3A_184] : memref<320000xi32, #tpu.memory_space<hbm>> -> memref<80xi32, #tpu.memory_space<hbm>>
          %dma_start3A_186 = tpu.memref_slice %arg4[%add3A_184] : memref<320000xi32, #tpu.memory_space<hbm>> -> memref<80xi32, #tpu.memory_space<hbm>>
          tpu.enqueue_dma source(%dma_start3A_186 : memref<80xi32, #tpu.memory_space<hbm>>) target(%arg18 : memref<80xi32, #tpu.memory_space<vmem>>) target_semaphore(%arg31 : memref<!tpu.dma_semaphore, #tpu.memory_space<semaphore_mem>>)
        } else {
        }
        %dma_start3A_165 = arith.constant 0 : i32
        %dma_start3A_166 = arith.constant 0 : i32
        %dma_start3A_167 = tpu.memref_slice %arg27[%dma_start3A_165, %dma_start3A_166] : memref<10240x128xf32, #tpu.memory_space<vmem_shared>> -> memref<10240x128xf32, #tpu.memory_space<vmem_shared>>
        tpu.enqueue_indirect_dma source(%arg23 : memref<80x128xf32, #tpu.memory_space<vmem>>) target(%dma_start3A_167 : memref<10240x128xf32, #tpu.memory_space<vmem_shared>>) offsets(%arg15 : memref<80xi32, #tpu.memory_space<vmem>>) semaphore(%arg40 : memref<!tpu.dma_semaphore, #tpu.memory_space<semaphore_mem>>) {add = true}
        %add3A_168 = arith.constant 3 : i32
        %add3A_169 = arith.addi %add3A_89, %add3A_168 : i32
        %lt3A_170 = arith.constant 125 : i32
        %lt3A_171 = arith.cmpi slt, %add3A_169, %lt3A_170 : i32
        %convert_element_type3A_172 = arith.extui %lt3A_171 : i1 to i32
        %cond3A_173 = arith.constant 0 : i32
        %cond3A_174 = arith.cmpi ne, %convert_element_type3A_172, %cond3A_173 : i32
        scf.if %cond3A_174 {
          %gt3A = arith.constant 0 : i32
          %gt3A_175 = arith.cmpi sgt, %add3A_89, %gt3A : i32
          %convert_element_type3A_176 = arith.extui %gt3A_175 : i1 to i32
          %cond3A_177 = arith.constant 0 : i32
          %cond3A_178 = arith.cmpi ne, %convert_element_type3A_176, %cond3A_177 : i32
          scf.if %cond3A_178 {
            %dma_wait3A_194 = arith.constant 0 : i32
            %dma_wait3A_195 = arith.constant 0 : i32
            %dma_wait3A_196 = tpu.memref_slice %arg27[%dma_wait3A_194, %dma_wait3A_195] : memref<10240x128xf32, #tpu.memory_space<vmem_shared>> -> memref<10240x128xf32, #tpu.memory_space<vmem_shared>>
            tpu.wait_indirect_dma semaphore(%arg43 : memref<!tpu.dma_semaphore, #tpu.memory_space<semaphore_mem>>) src(%arg26 : memref<80x128xf32, #tpu.memory_space<vmem>>) dst(%dma_wait3A_196 : memref<10240x128xf32, #tpu.memory_space<vmem_shared>>)
          } else {
          }
          %add3A_179 = arith.constant 3 : i32
          %add3A_180 = arith.addi %add3A_89, %add3A_179 : i32
          %mul3A_181 = arith.constant 80 : i32
          %mul3A_182 = arith.muli %add3A_180, %mul3A_181 : i32
          %add3A_183 = arith.addi %mul3A_2, %mul3A_182 : i32
          %dma_wait3A_184 = tpu.memref_slice %arg3[%add3A_183] : memref<320000xi32, #tpu.memory_space<hbm>> -> memref<80xi32, #tpu.memory_space<hbm>>
          %dma_wait3A_185 = tpu.memref_slice %arg3[%add3A_183] : memref<320000xi32, #tpu.memory_space<hbm>> -> memref<80xi32, #tpu.memory_space<hbm>>
          tpu.wait_dma2 semaphore(%arg31 : memref<!tpu.dma_semaphore, #tpu.memory_space<semaphore_mem>>) src(%dma_wait3A_185 : memref<80xi32, #tpu.memory_space<hbm>>) dst(%arg10 : memref<80xi32, #tpu.memory_space<vmem>>)
          %mul3A_186 = arith.constant 80 : i32
          %mul3A_187 = arith.muli %add3A_180, %mul3A_186 : i32
          %add3A_188 = arith.addi %mul3A_2, %mul3A_187 : i32
          %dma_wait3A_189 = tpu.memref_slice %arg4[%add3A_188] : memref<320000xi32, #tpu.memory_space<hbm>> -> memref<80xi32, #tpu.memory_space<hbm>>
          %dma_wait3A_190 = tpu.memref_slice %arg4[%add3A_188] : memref<320000xi32, #tpu.memory_space<hbm>> -> memref<80xi32, #tpu.memory_space<hbm>>
          tpu.wait_dma2 semaphore(%arg31 : memref<!tpu.dma_semaphore, #tpu.memory_space<semaphore_mem>>) src(%dma_wait3A_190 : memref<80xi32, #tpu.memory_space<hbm>>) dst(%arg18 : memref<80xi32, #tpu.memory_space<vmem>>)
          %dma_start3A_191 = arith.constant 0 : i32
          %dma_start3A_192 = arith.constant 0 : i32
          %dma_start3A_193 = tpu.memref_slice %arg2[%dma_start3A_191, %dma_start3A_192] : memref<10000x128xf32, #tpu.memory_space<hbm>> -> memref<10000x128xf32, #tpu.memory_space<hbm>>
          tpu.enqueue_indirect_dma source(%dma_start3A_193 : memref<10000x128xf32, #tpu.memory_space<hbm>>) target(%arg26 : memref<80x128xf32, #tpu.memory_space<vmem>>) offsets(%arg10 : memref<80xi32, #tpu.memory_space<vmem>>) semaphore(%arg39 : memref<!tpu.dma_semaphore, #tpu.memory_space<semaphore_mem>>)
        } else {
        }
      } else {
      }
      %mul3A_92 = arith.constant 8 : i32
      %mul3A_93 = arith.muli %mul3A_92, %scan3A_85 : i32
      %add3A_94 = arith.constant 1 : i32
      %add3A_95 = arith.addi %mul3A_93, %add3A_94 : i32
      %lt3A_96 = arith.constant 125 : i32
      %lt3A_97 = arith.cmpi slt, %add3A_95, %lt3A_96 : i32
      %convert_element_type3A_98 = arith.extui %lt3A_97 : i1 to i32
      %cond3A_99 = arith.constant 0 : i32
      %cond3A_100 = arith.cmpi ne, %convert_element_type3A_98, %cond3A_99 : i32
      scf.if %cond3A_100 {
        %dma_wait3A_155 = arith.constant 0 : i32
        %dma_wait3A_156 = arith.constant 0 : i32
        %dma_wait3A_157 = tpu.memref_slice %arg2[%dma_wait3A_155, %dma_wait3A_156] : memref<10000x128xf32, #tpu.memory_space<hbm>> -> memref<10000x128xf32, #tpu.memory_space<hbm>>
        tpu.wait_indirect_dma semaphore(%arg37 : memref<!tpu.dma_semaphore, #tpu.memory_space<semaphore_mem>>) src(%dma_wait3A_157 : memref<10000x128xf32, #tpu.memory_space<hbm>>) dst(%arg24 : memref<80x128xf32, #tpu.memory_space<vmem>>)
        %add3A_158 = arith.constant 3 : i32
        %add3A_159 = arith.addi %add3A_95, %add3A_158 : i32
        %lt3A_160 = arith.constant 125 : i32
        %lt3A_161 = arith.cmpi slt, %add3A_159, %lt3A_160 : i32
        %convert_element_type3A_162 = arith.extui %lt3A_161 : i1 to i32
        %cond3A_163 = arith.constant 0 : i32
        %cond3A_164 = arith.cmpi ne, %convert_element_type3A_162, %cond3A_163 : i32
        scf.if %cond3A_164 {
          %add3A_175 = arith.constant 3 : i32
          %add3A_176 = arith.addi %add3A_95, %add3A_175 : i32
          %mul3A_177 = arith.constant 80 : i32
          %mul3A_178 = arith.muli %add3A_176, %mul3A_177 : i32
          %add3A_179 = arith.addi %mul3A_2, %mul3A_178 : i32
          %dma_start3A_180 = tpu.memref_slice %arg3[%add3A_179] : memref<320000xi32, #tpu.memory_space<hbm>> -> memref<80xi32, #tpu.memory_space<hbm>>
          %dma_start3A_181 = tpu.memref_slice %arg3[%add3A_179] : memref<320000xi32, #tpu.memory_space<hbm>> -> memref<80xi32, #tpu.memory_space<hbm>>
          tpu.enqueue_dma source(%dma_start3A_181 : memref<80xi32, #tpu.memory_space<hbm>>) target(%arg11 : memref<80xi32, #tpu.memory_space<vmem>>) target_semaphore(%arg32 : memref<!tpu.dma_semaphore, #tpu.memory_space<semaphore_mem>>)
          %mul3A_182 = arith.constant 80 : i32
          %mul3A_183 = arith.muli %add3A_176, %mul3A_182 : i32
          %add3A_184 = arith.addi %mul3A_2, %mul3A_183 : i32
          %dma_start3A_185 = tpu.memref_slice %arg4[%add3A_184] : memref<320000xi32, #tpu.memory_space<hbm>> -> memref<80xi32, #tpu.memory_space<hbm>>
          %dma_start3A_186 = tpu.memref_slice %arg4[%add3A_184] : memref<320000xi32, #tpu.memory_space<hbm>> -> memref<80xi32, #tpu.memory_space<hbm>>
          tpu.enqueue_dma source(%dma_start3A_186 : memref<80xi32, #tpu.memory_space<hbm>>) target(%arg19 : memref<80xi32, #tpu.memory_space<vmem>>) target_semaphore(%arg32 : memref<!tpu.dma_semaphore, #tpu.memory_space<semaphore_mem>>)
        } else {
        }
        %dma_start3A_165 = arith.constant 0 : i32
        %dma_start3A_166 = arith.constant 0 : i32
        %dma_start3A_167 = tpu.memref_slice %arg27[%dma_start3A_165, %dma_start3A_166] : memref<10240x128xf32, #tpu.memory_space<vmem_shared>> -> memref<10240x128xf32, #tpu.memory_space<vmem_shared>>
        tpu.enqueue_indirect_dma source(%arg24 : memref<80x128xf32, #tpu.memory_space<vmem>>) target(%dma_start3A_167 : memref<10240x128xf32, #tpu.memory_space<vmem_shared>>) offsets(%arg16 : memref<80xi32, #tpu.memory_space<vmem>>) semaphore(%arg41 : memref<!tpu.dma_semaphore, #tpu.memory_space<semaphore_mem>>) {add = true}
        %add3A_168 = arith.constant 3 : i32
        %add3A_169 = arith.addi %add3A_95, %add3A_168 : i32
        %lt3A_170 = arith.constant 125 : i32
        %lt3A_171 = arith.cmpi slt, %add3A_169, %lt3A_170 : i32
        %convert_element_type3A_172 = arith.extui %lt3A_171 : i1 to i32
        %cond3A_173 = arith.constant 0 : i32
        %cond3A_174 = arith.cmpi ne, %convert_element_type3A_172, %cond3A_173 : i32
        scf.if %cond3A_174 {
          %gt3A = arith.constant 0 : i32
          %gt3A_175 = arith.cmpi sgt, %add3A_95, %gt3A : i32
          %convert_element_type3A_176 = arith.extui %gt3A_175 : i1 to i32
          %cond3A_177 = arith.constant 0 : i32
          %cond3A_178 = arith.cmpi ne, %convert_element_type3A_176, %cond3A_177 : i32
          scf.if %cond3A_178 {
            %dma_wait3A_194 = arith.constant 0 : i32
            %dma_wait3A_195 = arith.constant 0 : i32
            %dma_wait3A_196 = tpu.memref_slice %arg27[%dma_wait3A_194, %dma_wait3A_195] : memref<10240x128xf32, #tpu.memory_space<vmem_shared>> -> memref<10240x128xf32, #tpu.memory_space<vmem_shared>>
            tpu.wait_indirect_dma semaphore(%arg40 : memref<!tpu.dma_semaphore, #tpu.memory_space<semaphore_mem>>) src(%arg23 : memref<80x128xf32, #tpu.memory_space<vmem>>) dst(%dma_wait3A_196 : memref<10240x128xf32, #tpu.memory_space<vmem_shared>>)
          } else {
          }
          %add3A_179 = arith.constant 3 : i32
          %add3A_180 = arith.addi %add3A_95, %add3A_179 : i32
          %mul3A_181 = arith.constant 80 : i32
          %mul3A_182 = arith.muli %add3A_180, %mul3A_181 : i32
          %add3A_183 = arith.addi %mul3A_2, %mul3A_182 : i32
          %dma_wait3A_184 = tpu.memref_slice %arg3[%add3A_183] : memref<320000xi32, #tpu.memory_space<hbm>> -> memref<80xi32, #tpu.memory_space<hbm>>
          %dma_wait3A_185 = tpu.memref_slice %arg3[%add3A_183] : memref<320000xi32, #tpu.memory_space<hbm>> -> memref<80xi32, #tpu.memory_space<hbm>>
          tpu.wait_dma2 semaphore(%arg32 : memref<!tpu.dma_semaphore, #tpu.memory_space<semaphore_mem>>) src(%dma_wait3A_185 : memref<80xi32, #tpu.memory_space<hbm>>) dst(%arg11 : memref<80xi32, #tpu.memory_space<vmem>>)
          %mul3A_186 = arith.constant 80 : i32
          %mul3A_187 = arith.muli %add3A_180, %mul3A_186 : i32
          %add3A_188 = arith.addi %mul3A_2, %mul3A_187 : i32
          %dma_wait3A_189 = tpu.memref_slice %arg4[%add3A_188] : memref<320000xi32, #tpu.memory_space<hbm>> -> memref<80xi32, #tpu.memory_space<hbm>>
          %dma_wait3A_190 = tpu.memref_slice %arg4[%add3A_188] : memref<320000xi32, #tpu.memory_space<hbm>> -> memref<80xi32, #tpu.memory_space<hbm>>
          tpu.wait_dma2 semaphore(%arg32 : memref<!tpu.dma_semaphore, #tpu.memory_space<semaphore_mem>>) src(%dma_wait3A_190 : memref<80xi32, #tpu.memory_space<hbm>>) dst(%arg19 : memref<80xi32, #tpu.memory_space<vmem>>)
          %dma_start3A_191 = arith.constant 0 : i32
          %dma_start3A_192 = arith.constant 0 : i32
          %dma_start3A_193 = tpu.memref_slice %arg2[%dma_start3A_191, %dma_start3A_192] : memref<10000x128xf32, #tpu.memory_space<hbm>> -> memref<10000x128xf32, #tpu.memory_space<hbm>>
          tpu.enqueue_indirect_dma source(%dma_start3A_193 : memref<10000x128xf32, #tpu.memory_space<hbm>>) target(%arg23 : memref<80x128xf32, #tpu.memory_space<vmem>>) offsets(%arg11 : memref<80xi32, #tpu.memory_space<vmem>>) semaphore(%arg36 : memref<!tpu.dma_semaphore, #tpu.memory_space<semaphore_mem>>)
        } else {
        }
      } else {
      }
      %mul3A_101 = arith.constant 8 : i32
      %mul3A_102 = arith.muli %mul3A_101, %scan3A_85 : i32
      %add3A_103 = arith.constant 2 : i32
      %add3A_104 = arith.addi %mul3A_102, %add3A_103 : i32
      %lt3A_105 = arith.constant 125 : i32
      %lt3A_106 = arith.cmpi slt, %add3A_104, %lt3A_105 : i32
      %convert_element_type3A_107 = arith.extui %lt3A_106 : i1 to i32
      %cond3A_108 = arith.constant 0 : i32
      %cond3A_109 = arith.cmpi ne, %convert_element_type3A_107, %cond3A_108 : i32
      scf.if %cond3A_109 {
        %dma_wait3A_155 = arith.constant 0 : i32
        %dma_wait3A_156 = arith.constant 0 : i32
        %dma_wait3A_157 = tpu.memref_slice %arg2[%dma_wait3A_155, %dma_wait3A_156] : memref<10000x128xf32, #tpu.memory_space<hbm>> -> memref<10000x128xf32, #tpu.memory_space<hbm>>
        tpu.wait_indirect_dma semaphore(%arg38 : memref<!tpu.dma_semaphore, #tpu.memory_space<semaphore_mem>>) src(%dma_wait3A_157 : memref<10000x128xf32, #tpu.memory_space<hbm>>) dst(%arg25 : memref<80x128xf32, #tpu.memory_space<vmem>>)
        %add3A_158 = arith.constant 3 : i32
        %add3A_159 = arith.addi %add3A_104, %add3A_158 : i32
        %lt3A_160 = arith.constant 125 : i32
        %lt3A_161 = arith.cmpi slt, %add3A_159, %lt3A_160 : i32
        %convert_element_type3A_162 = arith.extui %lt3A_161 : i1 to i32
        %cond3A_163 = arith.constant 0 : i32
        %cond3A_164 = arith.cmpi ne, %convert_element_type3A_162, %cond3A_163 : i32
        scf.if %cond3A_164 {
          %add3A_175 = arith.constant 3 : i32
          %add3A_176 = arith.addi %add3A_104, %add3A_175 : i32
          %mul3A_177 = arith.constant 80 : i32
          %mul3A_178 = arith.muli %add3A_176, %mul3A_177 : i32
          %add3A_179 = arith.addi %mul3A_2, %mul3A_178 : i32
          %dma_start3A_180 = tpu.memref_slice %arg3[%add3A_179] : memref<320000xi32, #tpu.memory_space<hbm>> -> memref<80xi32, #tpu.memory_space<hbm>>
          %dma_start3A_181 = tpu.memref_slice %arg3[%add3A_179] : memref<320000xi32, #tpu.memory_space<hbm>> -> memref<80xi32, #tpu.memory_space<hbm>>
          tpu.enqueue_dma source(%dma_start3A_181 : memref<80xi32, #tpu.memory_space<hbm>>) target(%arg12 : memref<80xi32, #tpu.memory_space<vmem>>) target_semaphore(%arg33 : memref<!tpu.dma_semaphore, #tpu.memory_space<semaphore_mem>>)
          %mul3A_182 = arith.constant 80 : i32
          %mul3A_183 = arith.muli %add3A_176, %mul3A_182 : i32
          %add3A_184 = arith.addi %mul3A_2, %mul3A_183 : i32
          %dma_start3A_185 = tpu.memref_slice %arg4[%add3A_184] : memref<320000xi32, #tpu.memory_space<hbm>> -> memref<80xi32, #tpu.memory_space<hbm>>
          %dma_start3A_186 = tpu.memref_slice %arg4[%add3A_184] : memref<320000xi32, #tpu.memory_space<hbm>> -> memref<80xi32, #tpu.memory_space<hbm>>
          tpu.enqueue_dma source(%dma_start3A_186 : memref<80xi32, #tpu.memory_space<hbm>>) target(%arg20 : memref<80xi32, #tpu.memory_space<vmem>>) target_semaphore(%arg33 : memref<!tpu.dma_semaphore, #tpu.memory_space<semaphore_mem>>)
        } else {
        }
        %dma_start3A_165 = arith.constant 0 : i32
        %dma_start3A_166 = arith.constant 0 : i32
        %dma_start3A_167 = tpu.memref_slice %arg27[%dma_start3A_165, %dma_start3A_166] : memref<10240x128xf32, #tpu.memory_space<vmem_shared>> -> memref<10240x128xf32, #tpu.memory_space<vmem_shared>>
        tpu.enqueue_indirect_dma source(%arg25 : memref<80x128xf32, #tpu.memory_space<vmem>>) target(%dma_start3A_167 : memref<10240x128xf32, #tpu.memory_space<vmem_shared>>) offsets(%arg17 : memref<80xi32, #tpu.memory_space<vmem>>) semaphore(%arg42 : memref<!tpu.dma_semaphore, #tpu.memory_space<semaphore_mem>>) {add = true}
        %add3A_168 = arith.constant 3 : i32
        %add3A_169 = arith.addi %add3A_104, %add3A_168 : i32
        %lt3A_170 = arith.constant 125 : i32
        %lt3A_171 = arith.cmpi slt, %add3A_169, %lt3A_170 : i32
        %convert_element_type3A_172 = arith.extui %lt3A_171 : i1 to i32
        %cond3A_173 = arith.constant 0 : i32
        %cond3A_174 = arith.cmpi ne, %convert_element_type3A_172, %cond3A_173 : i32
        scf.if %cond3A_174 {
          %gt3A = arith.constant 0 : i32
          %gt3A_175 = arith.cmpi sgt, %add3A_104, %gt3A : i32
          %convert_element_type3A_176 = arith.extui %gt3A_175 : i1 to i32
          %cond3A_177 = arith.constant 0 : i32
          %cond3A_178 = arith.cmpi ne, %convert_element_type3A_176, %cond3A_177 : i32
          scf.if %cond3A_178 {
            %dma_wait3A_194 = arith.constant 0 : i32
            %dma_wait3A_195 = arith.constant 0 : i32
            %dma_wait3A_196 = tpu.memref_slice %arg27[%dma_wait3A_194, %dma_wait3A_195] : memref<10240x128xf32, #tpu.memory_space<vmem_shared>> -> memref<10240x128xf32, #tpu.memory_space<vmem_shared>>
            tpu.wait_indirect_dma semaphore(%arg41 : memref<!tpu.dma_semaphore, #tpu.memory_space<semaphore_mem>>) src(%arg24 : memref<80x128xf32, #tpu.memory_space<vmem>>) dst(%dma_wait3A_196 : memref<10240x128xf32, #tpu.memory_space<vmem_shared>>)
          } else {
          }
          %add3A_179 = arith.constant 3 : i32
          %add3A_180 = arith.addi %add3A_104, %add3A_179 : i32
          %mul3A_181 = arith.constant 80 : i32
          %mul3A_182 = arith.muli %add3A_180, %mul3A_181 : i32
          %add3A_183 = arith.addi %mul3A_2, %mul3A_182 : i32
          %dma_wait3A_184 = tpu.memref_slice %arg3[%add3A_183] : memref<320000xi32, #tpu.memory_space<hbm>> -> memref<80xi32, #tpu.memory_space<hbm>>
          %dma_wait3A_185 = tpu.memref_slice %arg3[%add3A_183] : memref<320000xi32, #tpu.memory_space<hbm>> -> memref<80xi32, #tpu.memory_space<hbm>>
          tpu.wait_dma2 semaphore(%arg33 : memref<!tpu.dma_semaphore, #tpu.memory_space<semaphore_mem>>) src(%dma_wait3A_185 : memref<80xi32, #tpu.memory_space<hbm>>) dst(%arg12 : memref<80xi32, #tpu.memory_space<vmem>>)
          %mul3A_186 = arith.constant 80 : i32
          %mul3A_187 = arith.muli %add3A_180, %mul3A_186 : i32
          %add3A_188 = arith.addi %mul3A_2, %mul3A_187 : i32
          %dma_wait3A_189 = tpu.memref_slice %arg4[%add3A_188] : memref<320000xi32, #tpu.memory_space<hbm>> -> memref<80xi32, #tpu.memory_space<hbm>>
          %dma_wait3A_190 = tpu.memref_slice %arg4[%add3A_188] : memref<320000xi32, #tpu.memory_space<hbm>> -> memref<80xi32, #tpu.memory_space<hbm>>
          tpu.wait_dma2 semaphore(%arg33 : memref<!tpu.dma_semaphore, #tpu.memory_space<semaphore_mem>>) src(%dma_wait3A_190 : memref<80xi32, #tpu.memory_space<hbm>>) dst(%arg20 : memref<80xi32, #tpu.memory_space<vmem>>)
          %dma_start3A_191 = arith.constant 0 : i32
          %dma_start3A_192 = arith.constant 0 : i32
          %dma_start3A_193 = tpu.memref_slice %arg2[%dma_start3A_191, %dma_start3A_192] : memref<10000x128xf32, #tpu.memory_space<hbm>> -> memref<10000x128xf32, #tpu.memory_space<hbm>>
          tpu.enqueue_indirect_dma source(%dma_start3A_193 : memref<10000x128xf32, #tpu.memory_space<hbm>>) target(%arg24 : memref<80x128xf32, #tpu.memory_space<vmem>>) offsets(%arg12 : memref<80xi32, #tpu.memory_space<vmem>>) semaphore(%arg37 : memref<!tpu.dma_semaphore, #tpu.memory_space<semaphore_mem>>)
        } else {
        }
      } else {
      }
      %mul3A_110 = arith.constant 8 : i32
      %mul3A_111 = arith.muli %mul3A_110, %scan3A_85 : i32
      %add3A_112 = arith.constant 3 : i32
      %add3A_113 = arith.addi %mul3A_111, %add3A_112 : i32
      %lt3A_114 = arith.constant 125 : i32
      %lt3A_115 = arith.cmpi slt, %add3A_113, %lt3A_114 : i32
      %convert_element_type3A_116 = arith.extui %lt3A_115 : i1 to i32
      %cond3A_117 = arith.constant 0 : i32
      %cond3A_118 = arith.cmpi ne, %convert_element_type3A_116, %cond3A_117 : i32
      scf.if %cond3A_118 {
        %dma_wait3A_155 = arith.constant 0 : i32
        %dma_wait3A_156 = arith.constant 0 : i32
        %dma_wait3A_157 = tpu.memref_slice %arg2[%dma_wait3A_155, %dma_wait3A_156] : memref<10000x128xf32, #tpu.memory_space<hbm>> -> memref<10000x128xf32, #tpu.memory_space<hbm>>
        tpu.wait_indirect_dma semaphore(%arg39 : memref<!tpu.dma_semaphore, #tpu.memory_space<semaphore_mem>>) src(%dma_wait3A_157 : memref<10000x128xf32, #tpu.memory_space<hbm>>) dst(%arg26 : memref<80x128xf32, #tpu.memory_space<vmem>>)
        %add3A_158 = arith.constant 3 : i32
        %add3A_159 = arith.addi %add3A_113, %add3A_158 : i32
        %lt3A_160 = arith.constant 125 : i32
        %lt3A_161 = arith.cmpi slt, %add3A_159, %lt3A_160 : i32
        %convert_element_type3A_162 = arith.extui %lt3A_161 : i1 to i32
        %cond3A_163 = arith.constant 0 : i32
        %cond3A_164 = arith.cmpi ne, %convert_element_type3A_162, %cond3A_163 : i32
        scf.if %cond3A_164 {
          %add3A_175 = arith.constant 3 : i32
          %add3A_176 = arith.addi %add3A_113, %add3A_175 : i32
          %mul3A_177 = arith.constant 80 : i32
          %mul3A_178 = arith.muli %add3A_176, %mul3A_177 : i32
          %add3A_179 = arith.addi %mul3A_2, %mul3A_178 : i32
          %dma_start3A_180 = tpu.memref_slice %arg3[%add3A_179] : memref<320000xi32, #tpu.memory_space<hbm>> -> memref<80xi32, #tpu.memory_space<hbm>>
          %dma_start3A_181 = tpu.memref_slice %arg3[%add3A_179] : memref<320000xi32, #tpu.memory_space<hbm>> -> memref<80xi32, #tpu.memory_space<hbm>>
          tpu.enqueue_dma source(%dma_start3A_181 : memref<80xi32, #tpu.memory_space<hbm>>) target(%arg13 : memref<80xi32, #tpu.memory_space<vmem>>) target_semaphore(%arg34 : memref<!tpu.dma_semaphore, #tpu.memory_space<semaphore_mem>>)
          %mul3A_182 = arith.constant 80 : i32
          %mul3A_183 = arith.muli %add3A_176, %mul3A_182 : i32
          %add3A_184 = arith.addi %mul3A_2, %mul3A_183 : i32
          %dma_start3A_185 = tpu.memref_slice %arg4[%add3A_184] : memref<320000xi32, #tpu.memory_space<hbm>> -> memref<80xi32, #tpu.memory_space<hbm>>
          %dma_start3A_186 = tpu.memref_slice %arg4[%add3A_184] : memref<320000xi32, #tpu.memory_space<hbm>> -> memref<80xi32, #tpu.memory_space<hbm>>
          tpu.enqueue_dma source(%dma_start3A_186 : memref<80xi32, #tpu.memory_space<hbm>>) target(%arg21 : memref<80xi32, #tpu.memory_space<vmem>>) target_semaphore(%arg34 : memref<!tpu.dma_semaphore, #tpu.memory_space<semaphore_mem>>)
        } else {
        }
        %dma_start3A_165 = arith.constant 0 : i32
        %dma_start3A_166 = arith.constant 0 : i32
        %dma_start3A_167 = tpu.memref_slice %arg27[%dma_start3A_165, %dma_start3A_166] : memref<10240x128xf32, #tpu.memory_space<vmem_shared>> -> memref<10240x128xf32, #tpu.memory_space<vmem_shared>>
        tpu.enqueue_indirect_dma source(%arg26 : memref<80x128xf32, #tpu.memory_space<vmem>>) target(%dma_start3A_167 : memref<10240x128xf32, #tpu.memory_space<vmem_shared>>) offsets(%arg18 : memref<80xi32, #tpu.memory_space<vmem>>) semaphore(%arg43 : memref<!tpu.dma_semaphore, #tpu.memory_space<semaphore_mem>>) {add = true}
        %add3A_168 = arith.constant 3 : i32
        %add3A_169 = arith.addi %add3A_113, %add3A_168 : i32
        %lt3A_170 = arith.constant 125 : i32
        %lt3A_171 = arith.cmpi slt, %add3A_169, %lt3A_170 : i32
        %convert_element_type3A_172 = arith.extui %lt3A_171 : i1 to i32
        %cond3A_173 = arith.constant 0 : i32
        %cond3A_174 = arith.cmpi ne, %convert_element_type3A_172, %cond3A_173 : i32
        scf.if %cond3A_174 {
          %gt3A = arith.constant 0 : i32
          %gt3A_175 = arith.cmpi sgt, %add3A_113, %gt3A : i32
          %convert_element_type3A_176 = arith.extui %gt3A_175 : i1 to i32
          %cond3A_177 = arith.constant 0 : i32
          %cond3A_178 = arith.cmpi ne, %convert_element_type3A_176, %cond3A_177 : i32
          scf.if %cond3A_178 {
            %dma_wait3A_194 = arith.constant 0 : i32
            %dma_wait3A_195 = arith.constant 0 : i32
            %dma_wait3A_196 = tpu.memref_slice %arg27[%dma_wait3A_194, %dma_wait3A_195] : memref<10240x128xf32, #tpu.memory_space<vmem_shared>> -> memref<10240x128xf32, #tpu.memory_space<vmem_shared>>
            tpu.wait_indirect_dma semaphore(%arg42 : memref<!tpu.dma_semaphore, #tpu.memory_space<semaphore_mem>>) src(%arg25 : memref<80x128xf32, #tpu.memory_space<vmem>>) dst(%dma_wait3A_196 : memref<10240x128xf32, #tpu.memory_space<vmem_shared>>)
          } else {
          }
          %add3A_179 = arith.constant 3 : i32
          %add3A_180 = arith.addi %add3A_113, %add3A_179 : i32
          %mul3A_181 = arith.constant 80 : i32
          %mul3A_182 = arith.muli %add3A_180, %mul3A_181 : i32
          %add3A_183 = arith.addi %mul3A_2, %mul3A_182 : i32
          %dma_wait3A_184 = tpu.memref_slice %arg3[%add3A_183] : memref<320000xi32, #tpu.memory_space<hbm>> -> memref<80xi32, #tpu.memory_space<hbm>>
          %dma_wait3A_185 = tpu.memref_slice %arg3[%add3A_183] : memref<320000xi32, #tpu.memory_space<hbm>> -> memref<80xi32, #tpu.memory_space<hbm>>
          tpu.wait_dma2 semaphore(%arg34 : memref<!tpu.dma_semaphore, #tpu.memory_space<semaphore_mem>>) src(%dma_wait3A_185 : memref<80xi32, #tpu.memory_space<hbm>>) dst(%arg13 : memref<80xi32, #tpu.memory_space<vmem>>)
          %mul3A_186 = arith.constant 80 : i32
          %mul3A_187 = arith.muli %add3A_180, %mul3A_186 : i32
          %add3A_188 = arith.addi %mul3A_2, %mul3A_187 : i32
          %dma_wait3A_189 = tpu.memref_slice %arg4[%add3A_188] : memref<320000xi32, #tpu.memory_space<hbm>> -> memref<80xi32, #tpu.memory_space<hbm>>
          %dma_wait3A_190 = tpu.memref_slice %arg4[%add3A_188] : memref<320000xi32, #tpu.memory_space<hbm>> -> memref<80xi32, #tpu.memory_space<hbm>>
          tpu.wait_dma2 semaphore(%arg34 : memref<!tpu.dma_semaphore, #tpu.memory_space<semaphore_mem>>) src(%dma_wait3A_190 : memref<80xi32, #tpu.memory_space<hbm>>) dst(%arg21 : memref<80xi32, #tpu.memory_space<vmem>>)
          %dma_start3A_191 = arith.constant 0 : i32
          %dma_start3A_192 = arith.constant 0 : i32
          %dma_start3A_193 = tpu.memref_slice %arg2[%dma_start3A_191, %dma_start3A_192] : memref<10000x128xf32, #tpu.memory_space<hbm>> -> memref<10000x128xf32, #tpu.memory_space<hbm>>
          tpu.enqueue_indirect_dma source(%dma_start3A_193 : memref<10000x128xf32, #tpu.memory_space<hbm>>) target(%arg25 : memref<80x128xf32, #tpu.memory_space<vmem>>) offsets(%arg13 : memref<80xi32, #tpu.memory_space<vmem>>) semaphore(%arg38 : memref<!tpu.dma_semaphore, #tpu.memory_space<semaphore_mem>>)
        } else {
        }
      } else {
      }
      %mul3A_119 = arith.constant 8 : i32
      %mul3A_120 = arith.muli %mul3A_119, %scan3A_85 : i32
      %add3A_121 = arith.constant 4 : i32
      %add3A_122 = arith.addi %mul3A_120, %add3A_121 : i32
      %lt3A_123 = arith.constant 125 : i32
      %lt3A_124 = arith.cmpi slt, %add3A_122, %lt3A_123 : i32
      %convert_element_type3A_125 = arith.extui %lt3A_124 : i1 to i32
      %cond3A_126 = arith.constant 0 : i32
      %cond3A_127 = arith.cmpi ne, %convert_element_type3A_125, %cond3A_126 : i32
      scf.if %cond3A_127 {
        %dma_wait3A_155 = arith.constant 0 : i32
        %dma_wait3A_156 = arith.constant 0 : i32
        %dma_wait3A_157 = tpu.memref_slice %arg2[%dma_wait3A_155, %dma_wait3A_156] : memref<10000x128xf32, #tpu.memory_space<hbm>> -> memref<10000x128xf32, #tpu.memory_space<hbm>>
        tpu.wait_indirect_dma semaphore(%arg36 : memref<!tpu.dma_semaphore, #tpu.memory_space<semaphore_mem>>) src(%dma_wait3A_157 : memref<10000x128xf32, #tpu.memory_space<hbm>>) dst(%arg23 : memref<80x128xf32, #tpu.memory_space<vmem>>)
        %add3A_158 = arith.constant 3 : i32
        %add3A_159 = arith.addi %add3A_122, %add3A_158 : i32
        %lt3A_160 = arith.constant 125 : i32
        %lt3A_161 = arith.cmpi slt, %add3A_159, %lt3A_160 : i32
        %convert_element_type3A_162 = arith.extui %lt3A_161 : i1 to i32
        %cond3A_163 = arith.constant 0 : i32
        %cond3A_164 = arith.cmpi ne, %convert_element_type3A_162, %cond3A_163 : i32
        scf.if %cond3A_164 {
          %add3A_175 = arith.constant 3 : i32
          %add3A_176 = arith.addi %add3A_122, %add3A_175 : i32
          %mul3A_177 = arith.constant 80 : i32
          %mul3A_178 = arith.muli %add3A_176, %mul3A_177 : i32
          %add3A_179 = arith.addi %mul3A_2, %mul3A_178 : i32
          %dma_start3A_180 = tpu.memref_slice %arg3[%add3A_179] : memref<320000xi32, #tpu.memory_space<hbm>> -> memref<80xi32, #tpu.memory_space<hbm>>
          %dma_start3A_181 = tpu.memref_slice %arg3[%add3A_179] : memref<320000xi32, #tpu.memory_space<hbm>> -> memref<80xi32, #tpu.memory_space<hbm>>
          tpu.enqueue_dma source(%dma_start3A_181 : memref<80xi32, #tpu.memory_space<hbm>>) target(%arg14 : memref<80xi32, #tpu.memory_space<vmem>>) target_semaphore(%arg35 : memref<!tpu.dma_semaphore, #tpu.memory_space<semaphore_mem>>)
          %mul3A_182 = arith.constant 80 : i32
          %mul3A_183 = arith.muli %add3A_176, %mul3A_182 : i32
          %add3A_184 = arith.addi %mul3A_2, %mul3A_183 : i32
          %dma_start3A_185 = tpu.memref_slice %arg4[%add3A_184] : memref<320000xi32, #tpu.memory_space<hbm>> -> memref<80xi32, #tpu.memory_space<hbm>>
          %dma_start3A_186 = tpu.memref_slice %arg4[%add3A_184] : memref<320000xi32, #tpu.memory_space<hbm>> -> memref<80xi32, #tpu.memory_space<hbm>>
          tpu.enqueue_dma source(%dma_start3A_186 : memref<80xi32, #tpu.memory_space<hbm>>) target(%arg22 : memref<80xi32, #tpu.memory_space<vmem>>) target_semaphore(%arg35 : memref<!tpu.dma_semaphore, #tpu.memory_space<semaphore_mem>>)
        } else {
        }
        %dma_start3A_165 = arith.constant 0 : i32
        %dma_start3A_166 = arith.constant 0 : i32
        %dma_start3A_167 = tpu.memref_slice %arg27[%dma_start3A_165, %dma_start3A_166] : memref<10240x128xf32, #tpu.memory_space<vmem_shared>> -> memref<10240x128xf32, #tpu.memory_space<vmem_shared>>
        tpu.enqueue_indirect_dma source(%arg23 : memref<80x128xf32, #tpu.memory_space<vmem>>) target(%dma_start3A_167 : memref<10240x128xf32, #tpu.memory_space<vmem_shared>>) offsets(%arg19 : memref<80xi32, #tpu.memory_space<vmem>>) semaphore(%arg40 : memref<!tpu.dma_semaphore, #tpu.memory_space<semaphore_mem>>) {add = true}
        %add3A_168 = arith.constant 3 : i32
        %add3A_169 = arith.addi %add3A_122, %add3A_168 : i32
        %lt3A_170 = arith.constant 125 : i32
        %lt3A_171 = arith.cmpi slt, %add3A_169, %lt3A_170 : i32
        %convert_element_type3A_172 = arith.extui %lt3A_171 : i1 to i32
        %cond3A_173 = arith.constant 0 : i32
        %cond3A_174 = arith.cmpi ne, %convert_element_type3A_172, %cond3A_173 : i32
        scf.if %cond3A_174 {
          %gt3A = arith.constant 0 : i32
          %gt3A_175 = arith.cmpi sgt, %add3A_122, %gt3A : i32
          %convert_element_type3A_176 = arith.extui %gt3A_175 : i1 to i32
          %cond3A_177 = arith.constant 0 : i32
          %cond3A_178 = arith.cmpi ne, %convert_element_type3A_176, %cond3A_177 : i32
          scf.if %cond3A_178 {
            %dma_wait3A_194 = arith.constant 0 : i32
            %dma_wait3A_195 = arith.constant 0 : i32
            %dma_wait3A_196 = tpu.memref_slice %arg27[%dma_wait3A_194, %dma_wait3A_195] : memref<10240x128xf32, #tpu.memory_space<vmem_shared>> -> memref<10240x128xf32, #tpu.memory_space<vmem_shared>>
            tpu.wait_indirect_dma semaphore(%arg43 : memref<!tpu.dma_semaphore, #tpu.memory_space<semaphore_mem>>) src(%arg26 : memref<80x128xf32, #tpu.memory_space<vmem>>) dst(%dma_wait3A_196 : memref<10240x128xf32, #tpu.memory_space<vmem_shared>>)
          } else {
          }
          %add3A_179 = arith.constant 3 : i32
          %add3A_180 = arith.addi %add3A_122, %add3A_179 : i32
          %mul3A_181 = arith.constant 80 : i32
          %mul3A_182 = arith.muli %add3A_180, %mul3A_181 : i32
          %add3A_183 = arith.addi %mul3A_2, %mul3A_182 : i32
          %dma_wait3A_184 = tpu.memref_slice %arg3[%add3A_183] : memref<320000xi32, #tpu.memory_space<hbm>> -> memref<80xi32, #tpu.memory_space<hbm>>
          %dma_wait3A_185 = tpu.memref_slice %arg3[%add3A_183] : memref<320000xi32, #tpu.memory_space<hbm>> -> memref<80xi32, #tpu.memory_space<hbm>>
          tpu.wait_dma2 semaphore(%arg35 : memref<!tpu.dma_semaphore, #tpu.memory_space<semaphore_mem>>) src(%dma_wait3A_185 : memref<80xi32, #tpu.memory_space<hbm>>) dst(%arg14 : memref<80xi32, #tpu.memory_space<vmem>>)
          %mul3A_186 = arith.constant 80 : i32
          %mul3A_187 = arith.muli %add3A_180, %mul3A_186 : i32
          %add3A_188 = arith.addi %mul3A_2, %mul3A_187 : i32
          %dma_wait3A_189 = tpu.memref_slice %arg4[%add3A_188] : memref<320000xi32, #tpu.memory_space<hbm>> -> memref<80xi32, #tpu.memory_space<hbm>>
          %dma_wait3A_190 = tpu.memref_slice %arg4[%add3A_188] : memref<320000xi32, #tpu.memory_space<hbm>> -> memref<80xi32, #tpu.memory_space<hbm>>
          tpu.wait_dma2 semaphore(%arg35 : memref<!tpu.dma_semaphore, #tpu.memory_space<semaphore_mem>>) src(%dma_wait3A_190 : memref<80xi32, #tpu.memory_space<hbm>>) dst(%arg22 : memref<80xi32, #tpu.memory_space<vmem>>)
          %dma_start3A_191 = arith.constant 0 : i32
          %dma_start3A_192 = arith.constant 0 : i32
          %dma_start3A_193 = tpu.memref_slice %arg2[%dma_start3A_191, %dma_start3A_192] : memref<10000x128xf32, #tpu.memory_space<hbm>> -> memref<10000x128xf32, #tpu.memory_space<hbm>>
          tpu.enqueue_indirect_dma source(%dma_start3A_193 : memref<10000x128xf32, #tpu.memory_space<hbm>>) target(%arg26 : memref<80x128xf32, #tpu.memory_space<vmem>>) offsets(%arg14 : memref<80xi32, #tpu.memory_space<vmem>>) semaphore(%arg39 : memref<!tpu.dma_semaphore, #tpu.memory_space<semaphore_mem>>)
        } else {
        }
      } else {
      }
      %mul3A_128 = arith.constant 8 : i32
      %mul3A_129 = arith.muli %mul3A_128, %scan3A_85 : i32
      %add3A_130 = arith.constant 5 : i32
      %add3A_131 = arith.addi %mul3A_129, %add3A_130 : i32
      %lt3A_132 = arith.constant 125 : i32
      %lt3A_133 = arith.cmpi slt, %add3A_131, %lt3A_132 : i32
      %convert_element_type3A_134 = arith.extui %lt3A_133 : i1 to i32
      %cond3A_135 = arith.constant 0 : i32
      %cond3A_136 = arith.cmpi ne, %convert_element_type3A_134, %cond3A_135 : i32
      scf.if %cond3A_136 {
        %dma_wait3A_155 = arith.constant 0 : i32
        %dma_wait3A_156 = arith.constant 0 : i32
        %dma_wait3A_157 = tpu.memref_slice %arg2[%dma_wait3A_155, %dma_wait3A_156] : memref<10000x128xf32, #tpu.memory_space<hbm>> -> memref<10000x128xf32, #tpu.memory_space<hbm>>
        tpu.wait_indirect_dma semaphore(%arg37 : memref<!tpu.dma_semaphore, #tpu.memory_space<semaphore_mem>>) src(%dma_wait3A_157 : memref<10000x128xf32, #tpu.memory_space<hbm>>) dst(%arg24 : memref<80x128xf32, #tpu.memory_space<vmem>>)
        %add3A_158 = arith.constant 3 : i32
        %add3A_159 = arith.addi %add3A_131, %add3A_158 : i32
        %lt3A_160 = arith.constant 125 : i32
        %lt3A_161 = arith.cmpi slt, %add3A_159, %lt3A_160 : i32
        %convert_element_type3A_162 = arith.extui %lt3A_161 : i1 to i32
        %cond3A_163 = arith.constant 0 : i32
        %cond3A_164 = arith.cmpi ne, %convert_element_type3A_162, %cond3A_163 : i32
        scf.if %cond3A_164 {
          %add3A_175 = arith.constant 3 : i32
          %add3A_176 = arith.addi %add3A_131, %add3A_175 : i32
          %mul3A_177 = arith.constant 80 : i32
          %mul3A_178 = arith.muli %add3A_176, %mul3A_177 : i32
          %add3A_179 = arith.addi %mul3A_2, %mul3A_178 : i32
          %dma_start3A_180 = tpu.memref_slice %arg3[%add3A_179] : memref<320000xi32, #tpu.memory_space<hbm>> -> memref<80xi32, #tpu.memory_space<hbm>>
          %dma_start3A_181 = tpu.memref_slice %arg3[%add3A_179] : memref<320000xi32, #tpu.memory_space<hbm>> -> memref<80xi32, #tpu.memory_space<hbm>>
          tpu.enqueue_dma source(%dma_start3A_181 : memref<80xi32, #tpu.memory_space<hbm>>) target(%arg7 : memref<80xi32, #tpu.memory_space<vmem>>) target_semaphore(%arg28 : memref<!tpu.dma_semaphore, #tpu.memory_space<semaphore_mem>>)
          %mul3A_182 = arith.constant 80 : i32
          %mul3A_183 = arith.muli %add3A_176, %mul3A_182 : i32
          %add3A_184 = arith.addi %mul3A_2, %mul3A_183 : i32
          %dma_start3A_185 = tpu.memref_slice %arg4[%add3A_184] : memref<320000xi32, #tpu.memory_space<hbm>> -> memref<80xi32, #tpu.memory_space<hbm>>
          %dma_start3A_186 = tpu.memref_slice %arg4[%add3A_184] : memref<320000xi32, #tpu.memory_space<hbm>> -> memref<80xi32, #tpu.memory_space<hbm>>
          tpu.enqueue_dma source(%dma_start3A_186 : memref<80xi32, #tpu.memory_space<hbm>>) target(%arg15 : memref<80xi32, #tpu.memory_space<vmem>>) target_semaphore(%arg28 : memref<!tpu.dma_semaphore, #tpu.memory_space<semaphore_mem>>)
        } else {
        }
        %dma_start3A_165 = arith.constant 0 : i32
        %dma_start3A_166 = arith.constant 0 : i32
        %dma_start3A_167 = tpu.memref_slice %arg27[%dma_start3A_165, %dma_start3A_166] : memref<10240x128xf32, #tpu.memory_space<vmem_shared>> -> memref<10240x128xf32, #tpu.memory_space<vmem_shared>>
        tpu.enqueue_indirect_dma source(%arg24 : memref<80x128xf32, #tpu.memory_space<vmem>>) target(%dma_start3A_167 : memref<10240x128xf32, #tpu.memory_space<vmem_shared>>) offsets(%arg20 : memref<80xi32, #tpu.memory_space<vmem>>) semaphore(%arg41 : memref<!tpu.dma_semaphore, #tpu.memory_space<semaphore_mem>>) {add = true}
        %add3A_168 = arith.constant 3 : i32
        %add3A_169 = arith.addi %add3A_131, %add3A_168 : i32
        %lt3A_170 = arith.constant 125 : i32
        %lt3A_171 = arith.cmpi slt, %add3A_169, %lt3A_170 : i32
        %convert_element_type3A_172 = arith.extui %lt3A_171 : i1 to i32
        %cond3A_173 = arith.constant 0 : i32
        %cond3A_174 = arith.cmpi ne, %convert_element_type3A_172, %cond3A_173 : i32
        scf.if %cond3A_174 {
          %gt3A = arith.constant 0 : i32
          %gt3A_175 = arith.cmpi sgt, %add3A_131, %gt3A : i32
          %convert_element_type3A_176 = arith.extui %gt3A_175 : i1 to i32
          %cond3A_177 = arith.constant 0 : i32
          %cond3A_178 = arith.cmpi ne, %convert_element_type3A_176, %cond3A_177 : i32
          scf.if %cond3A_178 {
            %dma_wait3A_194 = arith.constant 0 : i32
            %dma_wait3A_195 = arith.constant 0 : i32
            %dma_wait3A_196 = tpu.memref_slice %arg27[%dma_wait3A_194, %dma_wait3A_195] : memref<10240x128xf32, #tpu.memory_space<vmem_shared>> -> memref<10240x128xf32, #tpu.memory_space<vmem_shared>>
            tpu.wait_indirect_dma semaphore(%arg40 : memref<!tpu.dma_semaphore, #tpu.memory_space<semaphore_mem>>) src(%arg23 : memref<80x128xf32, #tpu.memory_space<vmem>>) dst(%dma_wait3A_196 : memref<10240x128xf32, #tpu.memory_space<vmem_shared>>)
          } else {
          }
          %add3A_179 = arith.constant 3 : i32
          %add3A_180 = arith.addi %add3A_131, %add3A_179 : i32
          %mul3A_181 = arith.constant 80 : i32
          %mul3A_182 = arith.muli %add3A_180, %mul3A_181 : i32
          %add3A_183 = arith.addi %mul3A_2, %mul3A_182 : i32
          %dma_wait3A_184 = tpu.memref_slice %arg3[%add3A_183] : memref<320000xi32, #tpu.memory_space<hbm>> -> memref<80xi32, #tpu.memory_space<hbm>>
          %dma_wait3A_185 = tpu.memref_slice %arg3[%add3A_183] : memref<320000xi32, #tpu.memory_space<hbm>> -> memref<80xi32, #tpu.memory_space<hbm>>
          tpu.wait_dma2 semaphore(%arg28 : memref<!tpu.dma_semaphore, #tpu.memory_space<semaphore_mem>>) src(%dma_wait3A_185 : memref<80xi32, #tpu.memory_space<hbm>>) dst(%arg7 : memref<80xi32, #tpu.memory_space<vmem>>)
          %mul3A_186 = arith.constant 80 : i32
          %mul3A_187 = arith.muli %add3A_180, %mul3A_186 : i32
          %add3A_188 = arith.addi %mul3A_2, %mul3A_187 : i32
          %dma_wait3A_189 = tpu.memref_slice %arg4[%add3A_188] : memref<320000xi32, #tpu.memory_space<hbm>> -> memref<80xi32, #tpu.memory_space<hbm>>
          %dma_wait3A_190 = tpu.memref_slice %arg4[%add3A_188] : memref<320000xi32, #tpu.memory_space<hbm>> -> memref<80xi32, #tpu.memory_space<hbm>>
          tpu.wait_dma2 semaphore(%arg28 : memref<!tpu.dma_semaphore, #tpu.memory_space<semaphore_mem>>) src(%dma_wait3A_190 : memref<80xi32, #tpu.memory_space<hbm>>) dst(%arg15 : memref<80xi32, #tpu.memory_space<vmem>>)
          %dma_start3A_191 = arith.constant 0 : i32
          %dma_start3A_192 = arith.constant 0 : i32
          %dma_start3A_193 = tpu.memref_slice %arg2[%dma_start3A_191, %dma_start3A_192] : memref<10000x128xf32, #tpu.memory_space<hbm>> -> memref<10000x128xf32, #tpu.memory_space<hbm>>
          tpu.enqueue_indirect_dma source(%dma_start3A_193 : memref<10000x128xf32, #tpu.memory_space<hbm>>) target(%arg23 : memref<80x128xf32, #tpu.memory_space<vmem>>) offsets(%arg7 : memref<80xi32, #tpu.memory_space<vmem>>) semaphore(%arg36 : memref<!tpu.dma_semaphore, #tpu.memory_space<semaphore_mem>>)
        } else {
        }
      } else {
      }
      %mul3A_137 = arith.constant 8 : i32
      %mul3A_138 = arith.muli %mul3A_137, %scan3A_85 : i32
      %add3A_139 = arith.constant 6 : i32
      %add3A_140 = arith.addi %mul3A_138, %add3A_139 : i32
      %lt3A_141 = arith.constant 125 : i32
      %lt3A_142 = arith.cmpi slt, %add3A_140, %lt3A_141 : i32
      %convert_element_type3A_143 = arith.extui %lt3A_142 : i1 to i32
      %cond3A_144 = arith.constant 0 : i32
      %cond3A_145 = arith.cmpi ne, %convert_element_type3A_143, %cond3A_144 : i32
      scf.if %cond3A_145 {
        %dma_wait3A_155 = arith.constant 0 : i32
        %dma_wait3A_156 = arith.constant 0 : i32
        %dma_wait3A_157 = tpu.memref_slice %arg2[%dma_wait3A_155, %dma_wait3A_156] : memref<10000x128xf32, #tpu.memory_space<hbm>> -> memref<10000x128xf32, #tpu.memory_space<hbm>>
        tpu.wait_indirect_dma semaphore(%arg38 : memref<!tpu.dma_semaphore, #tpu.memory_space<semaphore_mem>>) src(%dma_wait3A_157 : memref<10000x128xf32, #tpu.memory_space<hbm>>) dst(%arg25 : memref<80x128xf32, #tpu.memory_space<vmem>>)
        %add3A_158 = arith.constant 3 : i32
        %add3A_159 = arith.addi %add3A_140, %add3A_158 : i32
        %lt3A_160 = arith.constant 125 : i32
        %lt3A_161 = arith.cmpi slt, %add3A_159, %lt3A_160 : i32
        %convert_element_type3A_162 = arith.extui %lt3A_161 : i1 to i32
        %cond3A_163 = arith.constant 0 : i32
        %cond3A_164 = arith.cmpi ne, %convert_element_type3A_162, %cond3A_163 : i32
        scf.if %cond3A_164 {
          %add3A_175 = arith.constant 3 : i32
          %add3A_176 = arith.addi %add3A_140, %add3A_175 : i32
          %mul3A_177 = arith.constant 80 : i32
          %mul3A_178 = arith.muli %add3A_176, %mul3A_177 : i32
          %add3A_179 = arith.addi %mul3A_2, %mul3A_178 : i32
          %dma_start3A_180 = tpu.memref_slice %arg3[%add3A_179] : memref<320000xi32, #tpu.memory_space<hbm>> -> memref<80xi32, #tpu.memory_space<hbm>>
          %dma_start3A_181 = tpu.memref_slice %arg3[%add3A_179] : memref<320000xi32, #tpu.memory_space<hbm>> -> memref<80xi32, #tpu.memory_space<hbm>>
          tpu.enqueue_dma source(%dma_start3A_181 : memref<80xi32, #tpu.memory_space<hbm>>) target(%arg8 : memref<80xi32, #tpu.memory_space<vmem>>) target_semaphore(%arg29 : memref<!tpu.dma_semaphore, #tpu.memory_space<semaphore_mem>>)
          %mul3A_182 = arith.constant 80 : i32
          %mul3A_183 = arith.muli %add3A_176, %mul3A_182 : i32
          %add3A_184 = arith.addi %mul3A_2, %mul3A_183 : i32
          %dma_start3A_185 = tpu.memref_slice %arg4[%add3A_184] : memref<320000xi32, #tpu.memory_space<hbm>> -> memref<80xi32, #tpu.memory_space<hbm>>
          %dma_start3A_186 = tpu.memref_slice %arg4[%add3A_184] : memref<320000xi32, #tpu.memory_space<hbm>> -> memref<80xi32, #tpu.memory_space<hbm>>
          tpu.enqueue_dma source(%dma_start3A_186 : memref<80xi32, #tpu.memory_space<hbm>>) target(%arg16 : memref<80xi32, #tpu.memory_space<vmem>>) target_semaphore(%arg29 : memref<!tpu.dma_semaphore, #tpu.memory_space<semaphore_mem>>)
        } else {
        }
        %dma_start3A_165 = arith.constant 0 : i32
        %dma_start3A_166 = arith.constant 0 : i32
        %dma_start3A_167 = tpu.memref_slice %arg27[%dma_start3A_165, %dma_start3A_166] : memref<10240x128xf32, #tpu.memory_space<vmem_shared>> -> memref<10240x128xf32, #tpu.memory_space<vmem_shared>>
        tpu.enqueue_indirect_dma source(%arg25 : memref<80x128xf32, #tpu.memory_space<vmem>>) target(%dma_start3A_167 : memref<10240x128xf32, #tpu.memory_space<vmem_shared>>) offsets(%arg21 : memref<80xi32, #tpu.memory_space<vmem>>) semaphore(%arg42 : memref<!tpu.dma_semaphore, #tpu.memory_space<semaphore_mem>>) {add = true}
        %add3A_168 = arith.constant 3 : i32
        %add3A_169 = arith.addi %add3A_140, %add3A_168 : i32
        %lt3A_170 = arith.constant 125 : i32
        %lt3A_171 = arith.cmpi slt, %add3A_169, %lt3A_170 : i32
        %convert_element_type3A_172 = arith.extui %lt3A_171 : i1 to i32
        %cond3A_173 = arith.constant 0 : i32
        %cond3A_174 = arith.cmpi ne, %convert_element_type3A_172, %cond3A_173 : i32
        scf.if %cond3A_174 {
          %gt3A = arith.constant 0 : i32
          %gt3A_175 = arith.cmpi sgt, %add3A_140, %gt3A : i32
          %convert_element_type3A_176 = arith.extui %gt3A_175 : i1 to i32
          %cond3A_177 = arith.constant 0 : i32
          %cond3A_178 = arith.cmpi ne, %convert_element_type3A_176, %cond3A_177 : i32
          scf.if %cond3A_178 {
            %dma_wait3A_194 = arith.constant 0 : i32
            %dma_wait3A_195 = arith.constant 0 : i32
            %dma_wait3A_196 = tpu.memref_slice %arg27[%dma_wait3A_194, %dma_wait3A_195] : memref<10240x128xf32, #tpu.memory_space<vmem_shared>> -> memref<10240x128xf32, #tpu.memory_space<vmem_shared>>
            tpu.wait_indirect_dma semaphore(%arg41 : memref<!tpu.dma_semaphore, #tpu.memory_space<semaphore_mem>>) src(%arg24 : memref<80x128xf32, #tpu.memory_space<vmem>>) dst(%dma_wait3A_196 : memref<10240x128xf32, #tpu.memory_space<vmem_shared>>)
          } else {
          }
          %add3A_179 = arith.constant 3 : i32
          %add3A_180 = arith.addi %add3A_140, %add3A_179 : i32
          %mul3A_181 = arith.constant 80 : i32
          %mul3A_182 = arith.muli %add3A_180, %mul3A_181 : i32
          %add3A_183 = arith.addi %mul3A_2, %mul3A_182 : i32
          %dma_wait3A_184 = tpu.memref_slice %arg3[%add3A_183] : memref<320000xi32, #tpu.memory_space<hbm>> -> memref<80xi32, #tpu.memory_space<hbm>>
          %dma_wait3A_185 = tpu.memref_slice %arg3[%add3A_183] : memref<320000xi32, #tpu.memory_space<hbm>> -> memref<80xi32, #tpu.memory_space<hbm>>
          tpu.wait_dma2 semaphore(%arg29 : memref<!tpu.dma_semaphore, #tpu.memory_space<semaphore_mem>>) src(%dma_wait3A_185 : memref<80xi32, #tpu.memory_space<hbm>>) dst(%arg8 : memref<80xi32, #tpu.memory_space<vmem>>)
          %mul3A_186 = arith.constant 80 : i32
          %mul3A_187 = arith.muli %add3A_180, %mul3A_186 : i32
          %add3A_188 = arith.addi %mul3A_2, %mul3A_187 : i32
          %dma_wait3A_189 = tpu.memref_slice %arg4[%add3A_188] : memref<320000xi32, #tpu.memory_space<hbm>> -> memref<80xi32, #tpu.memory_space<hbm>>
          %dma_wait3A_190 = tpu.memref_slice %arg4[%add3A_188] : memref<320000xi32, #tpu.memory_space<hbm>> -> memref<80xi32, #tpu.memory_space<hbm>>
          tpu.wait_dma2 semaphore(%arg29 : memref<!tpu.dma_semaphore, #tpu.memory_space<semaphore_mem>>) src(%dma_wait3A_190 : memref<80xi32, #tpu.memory_space<hbm>>) dst(%arg16 : memref<80xi32, #tpu.memory_space<vmem>>)
          %dma_start3A_191 = arith.constant 0 : i32
          %dma_start3A_192 = arith.constant 0 : i32
          %dma_start3A_193 = tpu.memref_slice %arg2[%dma_start3A_191, %dma_start3A_192] : memref<10000x128xf32, #tpu.memory_space<hbm>> -> memref<10000x128xf32, #tpu.memory_space<hbm>>
          tpu.enqueue_indirect_dma source(%dma_start3A_193 : memref<10000x128xf32, #tpu.memory_space<hbm>>) target(%arg24 : memref<80x128xf32, #tpu.memory_space<vmem>>) offsets(%arg8 : memref<80xi32, #tpu.memory_space<vmem>>) semaphore(%arg37 : memref<!tpu.dma_semaphore, #tpu.memory_space<semaphore_mem>>)
        } else {
        }
      } else {
      }
      %mul3A_146 = arith.constant 8 : i32
      %mul3A_147 = arith.muli %mul3A_146, %scan3A_85 : i32
      %add3A_148 = arith.constant 7 : i32
      %add3A_149 = arith.addi %mul3A_147, %add3A_148 : i32
      %lt3A_150 = arith.constant 125 : i32
      %lt3A_151 = arith.cmpi slt, %add3A_149, %lt3A_150 : i32
      %convert_element_type3A_152 = arith.extui %lt3A_151 : i1 to i32
      %cond3A_153 = arith.constant 0 : i32
      %cond3A_154 = arith.cmpi ne, %convert_element_type3A_152, %cond3A_153 : i32
      scf.if %cond3A_154 {
        %dma_wait3A_155 = arith.constant 0 : i32
        %dma_wait3A_156 = arith.constant 0 : i32
        %dma_wait3A_157 = tpu.memref_slice %arg2[%dma_wait3A_155, %dma_wait3A_156] : memref<10000x128xf32, #tpu.memory_space<hbm>> -> memref<10000x128xf32, #tpu.memory_space<hbm>>
        tpu.wait_indirect_dma semaphore(%arg39 : memref<!tpu.dma_semaphore, #tpu.memory_space<semaphore_mem>>) src(%dma_wait3A_157 : memref<10000x128xf32, #tpu.memory_space<hbm>>) dst(%arg26 : memref<80x128xf32, #tpu.memory_space<vmem>>)
        %add3A_158 = arith.constant 3 : i32
        %add3A_159 = arith.addi %add3A_149, %add3A_158 : i32
        %lt3A_160 = arith.constant 125 : i32
        %lt3A_161 = arith.cmpi slt, %add3A_159, %lt3A_160 : i32
        %convert_element_type3A_162 = arith.extui %lt3A_161 : i1 to i32
        %cond3A_163 = arith.constant 0 : i32
        %cond3A_164 = arith.cmpi ne, %convert_element_type3A_162, %cond3A_163 : i32
        scf.if %cond3A_164 {
          %add3A_175 = arith.constant 3 : i32
          %add3A_176 = arith.addi %add3A_149, %add3A_175 : i32
          %mul3A_177 = arith.constant 80 : i32
          %mul3A_178 = arith.muli %add3A_176, %mul3A_177 : i32
          %add3A_179 = arith.addi %mul3A_2, %mul3A_178 : i32
          %dma_start3A_180 = tpu.memref_slice %arg3[%add3A_179] : memref<320000xi32, #tpu.memory_space<hbm>> -> memref<80xi32, #tpu.memory_space<hbm>>
          %dma_start3A_181 = tpu.memref_slice %arg3[%add3A_179] : memref<320000xi32, #tpu.memory_space<hbm>> -> memref<80xi32, #tpu.memory_space<hbm>>
          tpu.enqueue_dma source(%dma_start3A_181 : memref<80xi32, #tpu.memory_space<hbm>>) target(%arg9 : memref<80xi32, #tpu.memory_space<vmem>>) target_semaphore(%arg30 : memref<!tpu.dma_semaphore, #tpu.memory_space<semaphore_mem>>)
          %mul3A_182 = arith.constant 80 : i32
          %mul3A_183 = arith.muli %add3A_176, %mul3A_182 : i32
          %add3A_184 = arith.addi %mul3A_2, %mul3A_183 : i32
          %dma_start3A_185 = tpu.memref_slice %arg4[%add3A_184] : memref<320000xi32, #tpu.memory_space<hbm>> -> memref<80xi32, #tpu.memory_space<hbm>>
          %dma_start3A_186 = tpu.memref_slice %arg4[%add3A_184] : memref<320000xi32, #tpu.memory_space<hbm>> -> memref<80xi32, #tpu.memory_space<hbm>>
          tpu.enqueue_dma source(%dma_start3A_186 : memref<80xi32, #tpu.memory_space<hbm>>) target(%arg17 : memref<80xi32, #tpu.memory_space<vmem>>) target_semaphore(%arg30 : memref<!tpu.dma_semaphore, #tpu.memory_space<semaphore_mem>>)
        } else {
        }
        %dma_start3A_165 = arith.constant 0 : i32
        %dma_start3A_166 = arith.constant 0 : i32
        %dma_start3A_167 = tpu.memref_slice %arg27[%dma_start3A_165, %dma_start3A_166] : memref<10240x128xf32, #tpu.memory_space<vmem_shared>> -> memref<10240x128xf32, #tpu.memory_space<vmem_shared>>
        tpu.enqueue_indirect_dma source(%arg26 : memref<80x128xf32, #tpu.memory_space<vmem>>) target(%dma_start3A_167 : memref<10240x128xf32, #tpu.memory_space<vmem_shared>>) offsets(%arg22 : memref<80xi32, #tpu.memory_space<vmem>>) semaphore(%arg43 : memref<!tpu.dma_semaphore, #tpu.memory_space<semaphore_mem>>) {add = true}
        %add3A_168 = arith.constant 3 : i32
        %add3A_169 = arith.addi %add3A_149, %add3A_168 : i32
        %lt3A_170 = arith.constant 125 : i32
        %lt3A_171 = arith.cmpi slt, %add3A_169, %lt3A_170 : i32
        %convert_element_type3A_172 = arith.extui %lt3A_171 : i1 to i32
        %cond3A_173 = arith.constant 0 : i32
        %cond3A_174 = arith.cmpi ne, %convert_element_type3A_172, %cond3A_173 : i32
        scf.if %cond3A_174 {
          %gt3A = arith.constant 0 : i32
          %gt3A_175 = arith.cmpi sgt, %add3A_149, %gt3A : i32
          %convert_element_type3A_176 = arith.extui %gt3A_175 : i1 to i32
          %cond3A_177 = arith.constant 0 : i32
          %cond3A_178 = arith.cmpi ne, %convert_element_type3A_176, %cond3A_177 : i32
          scf.if %cond3A_178 {
            %dma_wait3A_194 = arith.constant 0 : i32
            %dma_wait3A_195 = arith.constant 0 : i32
            %dma_wait3A_196 = tpu.memref_slice %arg27[%dma_wait3A_194, %dma_wait3A_195] : memref<10240x128xf32, #tpu.memory_space<vmem_shared>> -> memref<10240x128xf32, #tpu.memory_space<vmem_shared>>
            tpu.wait_indirect_dma semaphore(%arg42 : memref<!tpu.dma_semaphore, #tpu.memory_space<semaphore_mem>>) src(%arg25 : memref<80x128xf32, #tpu.memory_space<vmem>>) dst(%dma_wait3A_196 : memref<10240x128xf32, #tpu.memory_space<vmem_shared>>)
          } else {
          }
          %add3A_179 = arith.constant 3 : i32
          %add3A_180 = arith.addi %add3A_149, %add3A_179 : i32
          %mul3A_181 = arith.constant 80 : i32
          %mul3A_182 = arith.muli %add3A_180, %mul3A_181 : i32
          %add3A_183 = arith.addi %mul3A_2, %mul3A_182 : i32
          %dma_wait3A_184 = tpu.memref_slice %arg3[%add3A_183] : memref<320000xi32, #tpu.memory_space<hbm>> -> memref<80xi32, #tpu.memory_space<hbm>>
          %dma_wait3A_185 = tpu.memref_slice %arg3[%add3A_183] : memref<320000xi32, #tpu.memory_space<hbm>> -> memref<80xi32, #tpu.memory_space<hbm>>
          tpu.wait_dma2 semaphore(%arg30 : memref<!tpu.dma_semaphore, #tpu.memory_space<semaphore_mem>>) src(%dma_wait3A_185 : memref<80xi32, #tpu.memory_space<hbm>>) dst(%arg9 : memref<80xi32, #tpu.memory_space<vmem>>)
          %mul3A_186 = arith.constant 80 : i32
          %mul3A_187 = arith.muli %add3A_180, %mul3A_186 : i32
          %add3A_188 = arith.addi %mul3A_2, %mul3A_187 : i32
          %dma_wait3A_189 = tpu.memref_slice %arg4[%add3A_188] : memref<320000xi32, #tpu.memory_space<hbm>> -> memref<80xi32, #tpu.memory_space<hbm>>
          %dma_wait3A_190 = tpu.memref_slice %arg4[%add3A_188] : memref<320000xi32, #tpu.memory_space<hbm>> -> memref<80xi32, #tpu.memory_space<hbm>>
          tpu.wait_dma2 semaphore(%arg30 : memref<!tpu.dma_semaphore, #tpu.memory_space<semaphore_mem>>) src(%dma_wait3A_190 : memref<80xi32, #tpu.memory_space<hbm>>) dst(%arg17 : memref<80xi32, #tpu.memory_space<vmem>>)
          %dma_start3A_191 = arith.constant 0 : i32
          %dma_start3A_192 = arith.constant 0 : i32
          %dma_start3A_193 = tpu.memref_slice %arg2[%dma_start3A_191, %dma_start3A_192] : memref<10000x128xf32, #tpu.memory_space<hbm>> -> memref<10000x128xf32, #tpu.memory_space<hbm>>
          tpu.enqueue_indirect_dma source(%dma_start3A_193 : memref<10000x128xf32, #tpu.memory_space<hbm>>) target(%arg25 : memref<80x128xf32, #tpu.memory_space<vmem>>) offsets(%arg9 : memref<80xi32, #tpu.memory_space<vmem>>) semaphore(%arg38 : memref<!tpu.dma_semaphore, #tpu.memory_space<semaphore_mem>>)
        } else {
        }
      } else {
      }
    }
    %scan3A_64 = arith.constant 16 : i32
    %dma_wait3A_65 = arith.constant 0 : i32
    %dma_wait3A_66 = arith.constant 0 : i32
    %dma_wait3A_67 = tpu.memref_slice %arg27[%dma_wait3A_65, %dma_wait3A_66] : memref<10240x128xf32, #tpu.memory_space<vmem_shared>> -> memref<10240x128xf32, #tpu.memory_space<vmem_shared>>
    tpu.wait_indirect_dma semaphore(%arg41 : memref<!tpu.dma_semaphore, #tpu.memory_space<semaphore_mem>>) src(%arg24 : memref<80x128xf32, #tpu.memory_space<vmem>>) dst(%dma_wait3A_67 : memref<10240x128xf32, #tpu.memory_space<vmem_shared>>)
    %dma_wait3A_68 = arith.constant 0 : i32
    %dma_wait3A_69 = arith.constant 0 : i32
    %dma_wait3A_70 = tpu.memref_slice %arg27[%dma_wait3A_68, %dma_wait3A_69] : memref<10240x128xf32, #tpu.memory_space<vmem_shared>> -> memref<10240x128xf32, #tpu.memory_space<vmem_shared>>
    tpu.wait_indirect_dma semaphore(%arg42 : memref<!tpu.dma_semaphore, #tpu.memory_space<semaphore_mem>>) src(%arg25 : memref<80x128xf32, #tpu.memory_space<vmem>>) dst(%dma_wait3A_70 : memref<10240x128xf32, #tpu.memory_space<vmem_shared>>)
    %dma_wait3A_71 = arith.constant 0 : i32
    %dma_wait3A_72 = arith.constant 0 : i32
    %dma_wait3A_73 = tpu.memref_slice %arg27[%dma_wait3A_71, %dma_wait3A_72] : memref<10240x128xf32, #tpu.memory_space<vmem_shared>> -> memref<10240x128xf32, #tpu.memory_space<vmem_shared>>
    tpu.wait_indirect_dma semaphore(%arg43 : memref<!tpu.dma_semaphore, #tpu.memory_space<semaphore_mem>>) src(%arg26 : memref<80x128xf32, #tpu.memory_space<vmem>>) dst(%dma_wait3A_73 : memref<10240x128xf32, #tpu.memory_space<vmem_shared>>)
    %dma_wait3A_74 = arith.constant 0 : i32
    %dma_wait3A_75 = arith.constant 0 : i32
    %dma_wait3A_76 = tpu.memref_slice %arg27[%dma_wait3A_74, %dma_wait3A_75] : memref<10240x128xf32, #tpu.memory_space<vmem_shared>> -> memref<10240x128xf32, #tpu.memory_space<vmem_shared>>
    tpu.wait_indirect_dma semaphore(%arg40 : memref<!tpu.dma_semaphore, #tpu.memory_space<semaphore_mem>>) src(%arg23 : memref<80x128xf32, #tpu.memory_space<vmem>>) dst(%dma_wait3A_76 : memref<10240x128xf32, #tpu.memory_space<vmem_shared>>)
    %barrier3A_77 = arith.constant 0 : index
    tpu.barrier barrier_id(%barrier3A_77)
    %mul3A_78 = arith.constant 640 : i32
    %mul3A_79 = arith.muli %arg1, %mul3A_78 : i32
    %mul3A_80 = arith.constant 10240 : i32
    %mul3A_81 = arith.muli %arg0, %mul3A_80 : i32
    %mul3A_82 = arith.constant 640 : i32
    %mul3A_83 = arith.muli %arg1, %mul3A_82 : i32
    %add3A_84 = arith.addi %mul3A_81, %mul3A_83 : i32
    "tpu.region"() ({
      %run_scoped3A = tpu.sem_alloc : memref<!tpu.dma_semaphore, #tpu.memory_space<semaphore_mem>>
      %dma_start3A_85 = arith.constant 0 : i32
      %dma_start3A_86 = tpu.memref_slice %arg6[%add3A_84, %dma_start3A_85] : memref<20480x128xf32, #tpu.memory_space<hbm>> -> memref<640x128xf32, #tpu.memory_space<hbm>>
      %dma_start3A_87 = arith.constant 0 : i32
      %dma_start3A_88 = tpu.memref_slice %arg27[%mul3A_79, %dma_start3A_87] : memref<10240x128xf32, #tpu.memory_space<vmem_shared>> -> memref<640x128xf32, #tpu.memory_space<vmem_shared>>
      tpu.enqueue_dma source(%dma_start3A_88 : memref<640x128xf32, #tpu.memory_space<vmem_shared>>) target(%dma_start3A_86 : memref<640x128xf32, #tpu.memory_space<hbm>>) target_semaphore(%run_scoped3A : memref<!tpu.dma_semaphore, #tpu.memory_space<semaphore_mem>>)
      %dma_wait3A_89 = arith.constant 0 : i32
      %dma_wait3A_90 = tpu.memref_slice %arg6[%add3A_84, %dma_wait3A_89] : memref<20480x128xf32, #tpu.memory_space<hbm>> -> memref<640x128xf32, #tpu.memory_space<hbm>>
      %dma_wait3A_91 = arith.constant 0 : i32
      %dma_wait3A_92 = tpu.memref_slice %arg27[%mul3A_79, %dma_wait3A_91] : memref<10240x128xf32, #tpu.memory_space<vmem_shared>> -> memref<640x128xf32, #tpu.memory_space<vmem_shared>>
      tpu.wait_dma2 semaphore(%run_scoped3A : memref<!tpu.dma_semaphore, #tpu.memory_space<semaphore_mem>>) src(%dma_wait3A_92 : memref<640x128xf32, #tpu.memory_space<vmem_shared>>) dst(%dma_wait3A_90 : memref<640x128xf32, #tpu.memory_space<hbm>>)
      tpu.yield
    }) : () -> ()
    return
  }
}

module attributes {stable_mosaic.version = 14 : i64} {
  func.func @_dense_body(%arg0: i32, %arg1: memref<2x1280x128xf32, #tpu.memory_space<vmem>>, %arg2: memref<1x1x1280xi32, #tpu.memory_space<vmem>>, %arg3: memref<128x128xf32, #tpu.memory_space<vmem>>, %arg4: memref<1x128xf32, #tpu.memory_space<vmem>>, %arg5: memref<128x10xf32, #tpu.memory_space<vmem>>, %arg6: memref<1x10xf32, #tpu.memory_space<vmem>>, %arg7: memref<64x10xf32, #tpu.memory_space<vmem>>, %arg8: memref<64x128xf32, #tpu.memory_space<vmem>>) attributes {dimension_semantics = [#tpu.dimension_semantics<arbitrary>], iteration_bounds = array<i64: 8>, scalar_prefetch = 0 : i64, scratch_operands = 1 : i64, tpu.core_type = #tpu.core_type<tc>, window_params = [{transform_indices = @transform_0, window_bounds = array<i64: 2, 1280, 128>}, {transform_indices = @transform_1, window_bounds = array<i64: 1, 1, 1280>}, {pipeline_mode = #tpu.pipeline_mode<synchronous>, transform_indices = @transform_2, window_bounds = array<i64: 128, 128>}, {pipeline_mode = #tpu.pipeline_mode<synchronous>, transform_indices = @transform_3, window_bounds = array<i64: 1, 128>}, {pipeline_mode = #tpu.pipeline_mode<synchronous>, transform_indices = @transform_4, window_bounds = array<i64: 128, 10>}, {pipeline_mode = #tpu.pipeline_mode<synchronous>, transform_indices = @transform_5, window_bounds = array<i64: 1, 10>}, {pipeline_mode = #tpu.pipeline_mode<synchronous>, transform_indices = @transform_6, window_bounds = array<i64: 64, 10>}]} {
    %get3A = arith.constant 0 : index
    %get3A_0 = arith.constant 0 : index
    %get3A_1 = arith.constant 0 : index
    %get3A_2 = vector.load %arg1[%get3A, %get3A_0, %get3A_1] : memref<2x1280x128xf32, #tpu.memory_space<vmem>>, vector<1x1280x128xf32>
    %get3A_3 = vector.shape_cast %get3A_2 : vector<1x1280x128xf32> to vector<1280x128xf32>
    %get3A_4 = arith.constant 1 : index
    %get3A_5 = arith.constant 0 : index
    %get3A_6 = arith.constant 0 : index
    %get3A_7 = vector.load %arg1[%get3A_4, %get3A_5, %get3A_6] : memref<2x1280x128xf32, #tpu.memory_space<vmem>>, vector<1x1280x128xf32>
    %get3A_8 = vector.shape_cast %get3A_7 : vector<1x1280x128xf32> to vector<1280x128xf32>
    %add3A = arith.addf %get3A_3, %get3A_8 : vector<1280x128xf32>
    %get3A_9 = arith.constant 0 : index
    %get3A_10 = arith.constant 0 : index
    %get3A_11 = vector.load %arg3[%get3A_9, %get3A_10] : memref<128x128xf32, #tpu.memory_space<vmem>>, vector<128x128xf32>
    %dot_general3A = arith.constant dense<0.000000e+00> : vector<1280x128xf32>
    %dot_general3A_12 = tpu.matmul %add3A, %get3A_11, %dot_general3A {dimension_numbers = #tpu.dot_dimension_numbers<[1], [0], [0], [1], [0, 0, 1, 1], [], []>, transpose_lhs_hint = false} : vector<1280x128xf32>, vector<128x128xf32>, vector<1280x128xf32> -> vector<1280x128xf32>
    %get3A_13 = arith.constant 0 : index
    %get3A_14 = arith.constant 0 : index
    %get3A_15 = vector.load %arg4[%get3A_13, %get3A_14] : memref<1x128xf32, #tpu.memory_space<vmem>>, vector<1x128xf32>
    %add3A_16 = vector.broadcast %get3A_15 : vector<1x128xf32> to vector<1280x128xf32>
    %add3A_17 = arith.addf %dot_general3A_12, %add3A_16 : vector<1280x128xf32>
    %max3A = arith.constant 0.000000e+00 : f32
    %max3A_18 = vector.broadcast %max3A : f32 to vector<1280x128xf32>
    %max3A_19 = arith.maximumf %add3A_17, %max3A_18 : vector<1280x128xf32>
    %get3A_20 = arith.constant 0 : index
    %get3A_21 = arith.constant 0 : index
    %get3A_22 = arith.constant 0 : index
    %get3A_23 = vector.load %arg2[%get3A_20, %get3A_21, %get3A_22] : memref<1x1x1280xi32, #tpu.memory_space<vmem>>, vector<1x1x1280xi32>
    %get3A_24 = vector.shape_cast %get3A_23 : vector<1x1x1280xi32> to vector<1280xi32>
    %iota3A = tpu.iota {dimensions = array<i32: 0>} : vector<64x1280xi32>
    %broadcast_in_dim3A = vector.shape_cast %get3A_24 : vector<1280xi32> to vector<1x1280xi32>
    %eq3A = vector.broadcast %broadcast_in_dim3A : vector<1x1280xi32> to vector<64x1280xi32>
    %eq3A_25 = arith.cmpi eq, %iota3A, %eq3A : vector<64x1280xi32>
    %convert_element_type3A = arith.extui %eq3A_25 : vector<64x1280xi1> to vector<64x1280xi32>
    %convert_element_type3A_26 = arith.sitofp %convert_element_type3A : vector<64x1280xi32> to vector<64x1280xf32>
    %dot_general3A_27 = arith.constant dense<0.000000e+00> : vector<64x128xf32>
    %dot_general3A_28 = tpu.matmul %convert_element_type3A_26, %max3A_19, %dot_general3A_27 {dimension_numbers = #tpu.dot_dimension_numbers<[1], [0], [0], [1], [0, 0, 1, 1], [], []>, transpose_lhs_hint = false} : vector<64x1280xf32>, vector<1280x128xf32>, vector<64x128xf32> -> vector<64x128xf32>
    %eq3A_29 = arith.constant 0 : i32
    %eq3A_30 = arith.cmpi eq, %arg0, %eq3A_29 : i32
    %convert_element_type3A_31 = arith.extui %eq3A_30 : i1 to i32
    %cond3A = arith.constant 0 : i32
    %cond3A_32 = arith.cmpi ne, %convert_element_type3A_31, %cond3A : i32
    scf.if %cond3A_32 {
      %swap3A = arith.constant 0 : index
      %swap3A_42 = arith.constant 0 : index
      %swap3A_43 = vector.load %arg8[%swap3A, %swap3A_42] : memref<64x128xf32, #tpu.memory_space<vmem>>, vector<64x128xf32>
      tpu.vector_store %arg8[%swap3A, %swap3A_42], %dot_general3A_28 {strides = array<i32>} : memref<64x128xf32, #tpu.memory_space<vmem>>, vector<64x128xf32>,
    } else {
    }
    %gt3A = arith.constant 0 : i32
    %gt3A_33 = arith.cmpi sgt, %arg0, %gt3A : i32
    %convert_element_type3A_34 = arith.extui %gt3A_33 : i1 to i32
    %cond3A_35 = arith.constant 0 : i32
    %cond3A_36 = arith.cmpi ne, %convert_element_type3A_34, %cond3A_35 : i32
    scf.if %cond3A_36 {
      %get3A_42 = arith.constant 0 : index
      %get3A_43 = arith.constant 0 : index
      %get3A_44 = vector.load %arg8[%get3A_42, %get3A_43] : memref<64x128xf32, #tpu.memory_space<vmem>>, vector<64x128xf32>
      %add3A_45 = arith.addf %get3A_44, %dot_general3A_28 : vector<64x128xf32>
      %swap3A = arith.constant 0 : index
      %swap3A_46 = arith.constant 0 : index
      %swap3A_47 = vector.load %arg8[%swap3A, %swap3A_46] : memref<64x128xf32, #tpu.memory_space<vmem>>, vector<64x128xf32>
      tpu.vector_store %arg8[%swap3A, %swap3A_46], %add3A_45 {strides = array<i32>} : memref<64x128xf32, #tpu.memory_space<vmem>>, vector<64x128xf32>,
    } else {
    }
    %eq3A_37 = arith.constant 7 : i32
    %eq3A_38 = arith.cmpi eq, %arg0, %eq3A_37 : i32
    %convert_element_type3A_39 = arith.extui %eq3A_38 : i1 to i32
    %cond3A_40 = arith.constant 0 : i32
    %cond3A_41 = arith.cmpi ne, %convert_element_type3A_39, %cond3A_40 : i32
    scf.if %cond3A_41 {
      %get3A_42 = arith.constant 0 : index
      %get3A_43 = arith.constant 0 : index
      %get3A_44 = vector.load %arg8[%get3A_42, %get3A_43] : memref<64x128xf32, #tpu.memory_space<vmem>>, vector<64x128xf32>
      %get3A_45 = arith.constant 0 : index
      %get3A_46 = arith.constant 0 : index
      %get3A_47 = vector.load %arg5[%get3A_45, %get3A_46] : memref<128x10xf32, #tpu.memory_space<vmem>>, vector<128x10xf32>
      %dot_general3A_48 = arith.constant dense<0.000000e+00> : vector<64x10xf32>
      %dot_general3A_49 = tpu.matmul %get3A_44, %get3A_47, %dot_general3A_48 {dimension_numbers = #tpu.dot_dimension_numbers<[1], [0], [0], [1], [0, 0, 1, 1], [], []>, transpose_lhs_hint = false} : vector<64x128xf32>, vector<128x10xf32>, vector<64x10xf32> -> vector<64x10xf32>
      %get3A_50 = arith.constant 0 : index
      %get3A_51 = arith.constant 0 : index
      %get3A_52 = vector.load %arg6[%get3A_50, %get3A_51] : memref<1x10xf32, #tpu.memory_space<vmem>>, vector<1x10xf32>
      %add3A_53 = vector.broadcast %get3A_52 : vector<1x10xf32> to vector<64x10xf32>
      %add3A_54 = arith.addf %dot_general3A_49, %add3A_53 : vector<64x10xf32>
      %swap3A = arith.constant 0 : index
      %swap3A_55 = arith.constant 0 : index
      %swap3A_56 = vector.load %arg7[%swap3A, %swap3A_55] : memref<64x10xf32, #tpu.memory_space<vmem>>, vector<64x10xf32>
      tpu.vector_store %arg7[%swap3A, %swap3A_55], %add3A_54 {strides = array<i32>} : memref<64x10xf32, #tpu.memory_space<vmem>>, vector<64x10xf32>,
    } else {
    }
    return
  }
  func.func @transform_0(%arg0: i32) -> (i32, i32, i32) {
    %c0_i32 = arith.constant 0 : i32
    %c0_i32_0 = arith.constant 0 : i32
    %c0_i32_1 = arith.constant 0 : i32
    return %c0_i32, %arg0, %c0_i32_0 : i32, i32, i32
  }
  func.func @transform_1(%arg0: i32) -> (i32, i32, i32) {
    %c0_i32 = arith.constant 0 : i32
    %c0_i32_0 = arith.constant 0 : i32
    %c0_i32_1 = arith.constant 0 : i32
    return %arg0, %c0_i32, %c0_i32_0 : i32, i32, i32
  }
  func.func @transform_2(%arg0: i32) -> (i32, i32) {
    %c0_i32 = arith.constant 0 : i32
    %c0_i32_0 = arith.constant 0 : i32
    %c0_i32_1 = arith.constant 0 : i32
    return %c0_i32, %c0_i32_0 : i32, i32
  }
  func.func @transform_3(%arg0: i32) -> (i32, i32) {
    %c0_i32 = arith.constant 0 : i32
    %c0_i32_0 = arith.constant 0 : i32
    %c0_i32_1 = arith.constant 0 : i32
    return %c0_i32, %c0_i32_0 : i32, i32
  }
  func.func @transform_4(%arg0: i32) -> (i32, i32) {
    %c0_i32 = arith.constant 0 : i32
    %c0_i32_0 = arith.constant 0 : i32
    %c0_i32_1 = arith.constant 0 : i32
    return %c0_i32, %c0_i32_0 : i32, i32
  }
  func.func @transform_5(%arg0: i32) -> (i32, i32) {
    %c0_i32 = arith.constant 0 : i32
    %c0_i32_0 = arith.constant 0 : i32
    %c0_i32_1 = arith.constant 0 : i32
    return %c0_i32, %c0_i32_0 : i32, i32
  }
  func.func @transform_6(%arg0: i32) -> (i32, i32) {
    %c0_i32 = arith.constant 0 : i32
    %c0_i32_0 = arith.constant 0 : i32
    %c0_i32_1 = arith.constant 0 : i32
    return %c0_i32, %c0_i32_0 : i32, i32
  }
}

</mosaic_0001>

<sc_bundles>
// kernel: kernel.4.cloned.1.call-start
scs
__scs_entry_jumppad:
0x0: {  	(pc) =	sbr.rel $0x88, $3  }
0x1: {  	(tag) =	ssettag $0x0;
	lr =	simm.s32 $0x1  }
0x2: {  	[smem:$0x3F9A] =	sst lr;
	_ =	strace $0xD0000000  }
0x3: {  	_ = 	snop  }
0x4: {  	_ = 	snop  }
0x5: {  	_ = 	snop  }
0x6: {  	_ = 	snop  }
0x7: {  	_ = 	snop  }
__scs_overlays_trampoline_lowered:
0x8: {  	[smem:$0x3FA9] =	sst s0  }
0x9: {  	[smem:$0x3FAA] =	sst s1  }
0xa: {  	[smem:$0x3FAB] =	sst s2  }
0xb: {  	[smem:$0x3FAC] =	sst s3  }
0xc: {  	[smem:$0x3FAD] =	sst s4  }
0xd: {  	[smem:$0x3FAE] =	sst s5  }
0xe: {  	[smem:$0x3FAF] =	sst s6  }
0xf: {  	[smem:$0x3FB0] =	sst s7  }
0x10: {  	[smem:$0x3FB1] =	sst s8  }
0x11: {  	[smem:$0x3FB2] =	sst s9;
	s0 =	simm.s32 @!p0 $0x0  }
0x12: {  	s1 =	sld [smem:$0x3F98];
	s0 =	simm.s32 @p0 $0x1  }
0x13: {  	[smem:$0x3FB3] =	sst s0;
	s0 =	simm.s32 @!p1 $0x0  }
0x14: {  	s2 =	sld [smem:$0x3F97];
	s0 =	simm.s32 @p1 $0x1  }
0x15: {  	[smem:$0x3FB4] =	sst s0;
	s0 =	simm.s32 @!p2 $0x0  }
0x16: {  	s3 =	sld [smem:$0x3FDB];
	s0 =	simm.s32 @p2 $0x1  }
0x17: {  	s4 =	simm.s32 $0x1BF5;
	[smem:$0x3FB6] =	sst s0  }
0x18: {  	s0 =	sld [smem:$0x3F99];
	_ =	swait.ge [sflag:s4], $0x0  }
0x19: {  	s7 =	sld [smem:$0x3F9A]  }
0x1a: {  	s8 =	sadd.s32 $0xFFFFE003, lr  }
0x1b: {  	s9 =	sadd.s32 $0xFFFFFEF7, lr;
	s5 =	simm.s32 $0xFFFFFFFF;
	p2 =	slt.u32 s8, $0xFFFFF086  }
0x1c: {  	p1 =	slt.u32 s9, $0xF7A;
	s5 =	simm.s32 @!p2 $0x0  }
0x1d: {  	s5 =	simm.s32 @p1 $0x1;
	p0 =	seq.s32 s7, s2  }
0x1e: {  	s7 =	smul.u32 @!p0 $0xF7A, s2;
	p2 =	seq.s32 @!p0 s5, $0x0  }
0x1f: {  	s9 =	smul.u32 $0xF7A, s1;
	s8 =	simm.s32 @!p0 $0x1BF5;
	p2 =	por !p2, p0  }
0x20: {  	[sflag:s8] =	ssyncset.s32 @!p0 $0xFFFFF086;
	s6 =	sadd.s32 @!p0 s3, s7;
	s7 =	simm.s32 @!p0 $0x108  }
0x21: {  	s3 =	sadd.s32 s3, s9;
	s6 =	sadd.s32 @!p0 $0x88, s6;
	s7 =	simm.s32 @p2 $0x1082  }
0x22: {  	[simem:s7], [sflag:s8] =	dma.local @!p0 [hbm:s6], $0xF7A  }
0x23: {  	s9 =	sor.u32 $0xD0000000, s2;
	s6 =	simm.s32 $0x108;
	_ =	swait.ge @!p0 [sflag:s8], $0x0  }
0x24: {  	s3 =	sadd.s32 $0x88, s3;
	s6 =	simm.s32 @!p1 $0x1082;
	[sflag:s4] =	ssyncset.s32 $0xFFFFF086  }
0x25: {  	[simem:s6], [sflag:s4] =	dma.local [hbm:s3], $0xF7A  }
0x26: {  	[smem:$0x3F9A] =	sst s1;
	(tag) =	ssettag s2;
	_ =	strace s9  }
0x27: {  	s1 =	sld [smem:$0x3FAA]  }
0x28: {  	s2 =	sld [smem:$0x3FAB]  }
0x29: {  	s4 =	sld [smem:$0x3FAD]  }
0x2a: {  	p0 =	seq.s32 s5, $0x0;
	s5 =	sld [smem:$0x3FAE]  }
0x2b: {  	s6 =	sld [smem:$0x3FAF]  }
0x2c: {  	s7 =	sld [smem:$0x3FB0]  }
0x2d: {  	s3 =	simm.s32 $0x108;
	s8 =	sld [smem:$0x3FB1]  }
0x2e: {  	s3 =	simm.s32 @!p0 $0x1082;
	s9 =	sld [smem:$0x3FB2]  }
0x2f: {  	lr =	sadd.s32 s0, s3;
	s0 =	sld [smem:$0x3FA9]  }
0x30: {  	s3 =	sld [smem:$0x3FAC]  }
0x31: {  	[smem:$0x3FB5] =	sst s10  }
0x32: {  	s10 =	sld [smem:$0x3FB3];
	_ =	sdelay $0x3  }
0x33: {  	p0 =	seq.s32 s10, $0x1;
	s10 =	sld [smem:$0x3FB5];
	_ =	sdelay $0x3  }
0x34: {  	[smem:$0x3FB5] =	sst s10  }
0x35: {  	s10 =	sld [smem:$0x3FB4];
	_ =	sdelay $0x3  }
0x36: {  	p1 =	seq.s32 s10, $0x1;
	s10 =	sld [smem:$0x3FB5];
	_ =	sdelay $0x3  }
0x37: {  	[smem:$0x3FB5] =	sst s10  }
0x38: {  	s10 =	sld [smem:$0x3FB6]  }
0x39: {  	_ = 	snop;
	(pc) =	sbr.ind lr, $3  }
0x3a: {  	_ = 	snop  }
0x3b: {  	_ = 	snop  }
0x3c: {  	p2 =	seq.s32 s10, $0x1;
	s10 =	sld [smem:$0x3FB5]  }
0x3d: {  	_ =	shalt  }
0x3e: {  	_ =	shalt  }
0x3f: {  	_ =	shalt  }
0x40: {  	_ =	shalt  }
0x41: {  	_ =	shalt  }
0x42: {  	_ =	shalt  }
0x43: {  	_ =	shalt  }
0x44: {  	_ =	shalt  }
0x45: {  	_ =	shalt  }
0x46: {  	_ =	shalt  }
0x47: {  	_ =	shalt  }
0x48: {  	_ =	shalt  }
0x49: {  	_ =	shalt  }
0x4a: {  	_ =	shalt  }
0x4b: {  	_ =	shalt  }
0x4c: {  	_ =	shalt  }
0x4d: {  	_ =	shalt  }
0x4e: {  	_ =	shalt  }
0x4f: {  	_ =	shalt  }
0x50: {  	_ =	shalt  }
0x51: {  	_ =	shalt  }
0x52: {  	_ =	shalt  }
0x53: {  	_ =	shalt  }
0x54: {  	_ =	shalt  }
0x55: {  	_ =	shalt  }
0x56: {  	_ =	shalt  }
0x57: {  	_ =	shalt  }
0x58: {  	_ =	shalt  }
0x59: {  	_ =	shalt  }
0x5a: {  	_ =	shalt  }
0x5b: {  	_ =	shalt  }
0x5c: {  	_ =	shalt  }
0x5d: {  	_ =	shalt  }
0x5e: {  	_ =	shalt  }
0x5f: {  	_ =	shalt  }
0x60: {  	_ =	shalt  }
0x61: {  	_ =	shalt  }
0x62: {  	_ =	shalt  }
0x63: {  	_ =	shalt  }
0x64: {  	_ =	shalt  }
0x65: {  	_ =	shalt  }
0x66: {  	_ =	shalt  }
0x67: {  	_ =	shalt  }
0x68: {  	_ =	shalt  }
0x69: {  	_ =	shalt  }
0x6a: {  	_ =	shalt  }
0x6b: {  	_ =	shalt  }
0x6c: {  	_ =	shalt  }
0x6d: {  	_ =	shalt  }
0x6e: {  	_ =	shalt  }
0x6f: {  	_ =	shalt  }
0x70: {  	_ =	shalt  }
0x71: {  	_ =	shalt  }
0x72: {  	_ =	shalt  }
0x73: {  	_ =	shalt  }
0x74: {  	_ =	shalt  }
0x75: {  	_ =	shalt  }
0x76: {  	_ =	shalt  }
0x77: {  	_ =	shalt  }
0x78: {  	_ =	shalt  }
0x79: {  	_ =	shalt  }
0x7a: {  	_ =	shalt  }
0x7b: {  	_ =	shalt  }
0x7c: {  	_ =	shalt  }
0x7d: {  	_ =	shalt  }
0x7e: {  	_ =	shalt  }
0x7f: {  	_ =	shalt  }
0x80: {  	_ =	shalt  }
0x81: {  	_ =	shalt  }
0x82: {  	_ =	shalt  }
0x83: {  	_ =	shalt  }
0x84: {  	_ =	shalt  }
0x85: {  	_ =	shalt  }
0x86: {  	_ =	shalt  }
0x87: {  	_ =	shalt  }
.Lfunc_end0:
.L_simem_size_0:
called_computation_lowered:
.L_overlay_start_0:
0x88: {  	s2 =	sld [smem:$0x3FD9]  }
0x89: {  	s3 =	sld [smem:$0x3FFE];
	_ =	sdelay $0x1  }
0x8a: {  	s1 =	srdreg.scid  }
0x8b: {  	s0 =	sand.u32 $0x1, s1  }
0x8c: {  	s17 =	sshll.u32 s0, $0xA;
	s2 =	sadd.s32 s3, s2  }
0x8d: {  	s2 =	sadd.s32 s2, s17  }
0x8e: {  	[smem:$0x3FC1] =	sst s2  }
0x8f: {  	_ = 	snop  }
0x90: {  	s2 =	sld [smem:$0x3FC9];
	(tm) =	ssettm $0x1  }
0x91: {  	s18 =	sld [smem:$0x3FFB];
	_ =	sdelay $0x3  }
0x92: {  	_ =	strace s18  }
0x93: {  	s3 =	sld [smem:$0x3FFC];
	_ =	sdelay $0x3  }
0x94: {  	_ =	strace s3  }
0x95: {  	s3 =	sld [smem:$0x3FFD];
	_ =	sdelay $0x3  }
0x96: {  	_ =	strace s3  }
0x97: {  	_ =	strace $0x8FFFFFFF  }
0x98: {  	s19 =	sld [smem:$0x3FDB];
	_ =	sdelay $0x1  }
0x99: {  	s4 =	simm.s32 $_scs_section_size  }
0x9a: {  	s5 =	simm.s32 $_size__tile_overlayer_lowered;
	s6 =	simm.s32 $_tile_overlayer_lowered  }
0x9b: {  	s22 =	simm.s32 $0x1BFF;
	s21 =	sshll.u32 s6, $0x1;
	s3 =	sadd.s32 s4, s19  }
0x9c: {  	s7 =	simm.s32 $0x0;
	s20 =	sshll.u32 s5, $0x1;
	s5 =	sadd.s32 s21, s3  }
0x9d: {  	[timem:s7], [sflag:s22] =	dma.local [hbm:s5], s20  }
0x9e: {  	_ =	swait.ge [sflag:s22], s20  }
0x9f: {  	s4 =	ssub.s32 $0x0, s20;
	[sflag:s22] =	ssyncset.done $0x0  }
0xa0: {  	[sflag:s22] =	ssyncadd.s32 s4;
	_ =	sdelay $0x1  }
0xa1: {  	s23 =	simm.s32 $0x1B8B  }
0xa2: {  	_ =	swait.ge [sflag:s23], $0x1  }
0xa3: {  	[sflag:s23] =	ssyncset.done $0x0  }
0xa4: {  	s25 =	simm.s32 $0x1B8E;
	s24 =	sld [smem:$0x3FFE];
	[sflag:s23] =	ssyncadd.s32 $0xFFFFFFFF  }
0xa5: {  	s26 =	simm.s32 $execute0_lowered;
	[smem:$0x3FD2] =	sst s25  }
0xa6: {  	s5 =	sshll.u32 s26, $0x1;
	_ =	strace $0x80000046;
	[dreg:$0x1] =	wrdreg $0xFFFFFFFF  }
0xa7: {  	s28 =	simm.s32 $_size_execute0_lowered;
	s3 =	sadd.s32 s3, s5;
	[dreg:$0x0] =	wrdreg $0x0  }
0xa8: {  	s5 =	sshll.u32 s28, $0x1;
	[dreg:$0x2] =	wrdreg s3  }
0xa9: {  	[dreg:$0x3] =	wrdreg s5  }
0xaa: {  	[dreg:$0x4] =	wrdreg $0xC0  }
0xab: {  	_ =	task [dreg:s7], $0x5FFFF  }
0xac: {  	[dreg:$0x1] =	wrdreg $0xFFFFFFFF  }
0xad: {  	[dreg:$0x0] =	wrdreg $0x60  }
0xae: {  	[dreg:$0x2] =	wrdreg s2  }
0xaf: {  	[dreg:$0x3] =	wrdreg s24  }
0xb0: {  	[dreg:$0x4] =	wrdreg $0xA8000  }
0xb1: {  	[dreg:$0x5] =	wrdreg $0x9  }
0xb2: {  	_ =	task.clear_ibuf [dreg:s7], $0x6FFFF;
	_ =	strace $0x90000046  }
0xb3: {  	s29 =	simm.s32 $0x9;
	_ =	strace $0x80000048  }
0xb4: {  	_ =	swait.ge [sflag:s29], $0x1  }
0xb5: {  	[sflag:s29] =	ssyncadd.s32 $0xFFFFFFFF  }
0xb6: {  	_ =	strace $0x90000048  }
0xb7: {  	_ =	sfence  }
0xb8: {  	s30 =	sld [smem:$0x0];
	_ =	sdelay $0x2  }
0xb9: {  	s31 =	sshll.u32 s1, $0xD;
	s1 =	sshrl.u32 s1, $0x2  }
0xba: {  	s3 =	sand.u32 $0x4000, s31;
	s1 =	sadd.s32 s1, s30  }
0xbb: {  	s0 =	sor.u32 s3, s0;
	s1 =	sshll.u32 s1, $0x11  }
0xbc: {  	s0 =	sor.u32 s1, s0  }
0xbd: {  	s0 =	sadd.s32 $0x8F2B, s0  }
0xbe: {  	[sflag:s0] =	ssyncadd.remote.s32 $0x1  }
0xbf: {  	_ =	sfence.sel $0xFFFF  }
0xc0: {  	[dreg:$0x0] =	wrdreg $0xFFFFFFFF;
	(pc) =	sbr.abs _section_cstart, $3  }
0xc1: {  	[dreg:$0x1] =	wrdreg $0xFFFFFFFF  }
0xc2: {  	_ =	task.clear_ibuf [dreg:s7], $0x2FFFF;
	_ =	strace $0x9FFFFFFF  }
0xc3: {  	(tm) =	ssettm $0x7FFFFFFF  }
tec
execute0_lowered:
.L_overlay_start_1:
0x0: {  	(tag) =	ssettag $0x1  }
0x1: {  	s1 =	rddreg [dreg:$0x0]  }
0x2: {  	s0 =	rddreg [dreg:$0x1]  }
0x3: {  	s3 =	rddreg [dreg:$0x2]  }
0x4: {  	s4 =	simm.s32 $0x0;
	s2 =	srdreg.scid;
	s10 =	stileid.u32  }
0x5: {  	s31 =	simm.s32 $0x3000;
	s29 =	simm.s32 $0xA;
	s30 =	simm.s32 $0x200  }
0x6: {  	[smem:$0x7FF] =	sst s4;
	s2 =	sand.u32 $0x1, s2;
	s5 =	smul.u32 $0x2800, s10  }
0x7: {  	s7 =	sshll.u32 s10, $0x1;
	s11 =	sadd.s32 $0xA600, s0;
	s19 =	smul.u32 $0x50000, s10  }
0x8: {  	s12 =	sadd.s32 $0x800, s0;
	s8 =	sadd.s32 $0x14400, s0;
	s22 =	smul.u32 $0x4E20, s10  }
0x9: {  	s25 =	sshll.u32 s10, $0x6;
	_ =	strace $0x80000047;
	[dreg:$0x6] =	wrdreg s8  }
0xa: {  	s6 =	smul.u32 $0x28000, s2;
	s7 =	sor.u32 s2, s7;
	[dreg:$0x5] =	wrdreg s12  }
0xb: {  	s16 =	ssub.s32 $0x2, s2;
	s2 =	smul.u32 $0x2710, s2;
	[dreg:$0x4] =	wrdreg s11  }
0xc: {  	s7 =	smul.u32 $0x2710, s7;
	s17 =	sshrl.u32 s16, $0x1;
	s5 =	sadd.s32 s5, s6  }
0xd: {  	s24 =	sshrl.u32 s19, $0x2;
	s2 =	sadd.s32 s2, s22;
	s0 =	sadd.s32 s5, s0  }
0xe: {  	s5 =	ssub.s32 s16, s17;
	s18 =	sshrl.u32 s7, $0x3;
	s26 =	sadd.s32 $0x230, s2  }
0xf: {  	s7 =	sadd.s32 $0x1E0, s2;
	s10 =	sadd.s32 $0x190, s2;
	s14 =	sadd.s32 $0x140, s2  }
0x10: {  	s17 =	sadd.s32 $0x320, s2;
	s19 =	sadd.s32 $0x2D0, s2;
	s20 =	sadd.s32 s11, s18  }
0x11: {  	s21 =	sadd.s32 s12, s18;
	s9 =	sadd.s32 $0xA, s18;
	s6 =	sadd.s32 $0x14, s18  }
0x12: {  	s0 =	sadd.s32 $0x16C00, s0;
	s28 =	sshrl.u32 s26, $0x3;
	[dreg:$0x7] =	wrdreg s20  }
0x13: {  	s5 =	smax.u32 s5, $0x1;
	s8 =	sshrl.u32 s7, $0x3;
	[dreg:$0x8] =	wrdreg s21  }
0x14: {  	s16 =	sshrl.u32 s14, $0x3;
	s18 =	sshrl.u32 s17, $0x3;
	[dreg:$0xf] =	wrdreg s0  }
0x15: {  	s14 =	simm.s32 $0x50;
	s13 =	sadd.s32 s11, s9;
	[dreg:$0x10] =	wrdreg s5  }
0x16: {  	s17 =	simm.s32 $0x2;
	s9 =	sadd.s32 s12, s9;
	[dreg:$0x9] =	wrdreg s13  }
0x17: {  	s23 =	sadd.s32 s11, s6;
	s6 =	sadd.s32 s12, s6;
	[dreg:$0xa] =	wrdreg s9  }
0x18: {  	s0 =	sadd.s32 s28, s11;
	s5 =	sshrl.u32 s10, $0x3;
	[dreg:$0xb] =	wrdreg s23  }
0x19: {  	s20 =	sadd.s32 s18, s12;
	s21 =	sadd.s32 $0xF0, s2;
	[dreg:$0xc] =	wrdreg s6  }
0x1a: {  	s10 =	simm.s32 $0xC;
	s6 =	sadd.s32 s24, s3;
	[dreg:$0x12] =	wrdreg s0  }
0x1b: {  	s9 =	sor.u32 $0x1C11, s25;
	s13 =	sadd.s32 s8, s12;
	[dreg:$0x16] =	wrdreg s20  }
0x1c: {  	s0 =	sadd.s32 s8, s11;
	s15 =	sadd.s32 s5, s12;
	[dreg:$0xd] =	wrdreg s6  }
0x1d: {  	s23 =	sadd.s32 s5, s11;
	s24 =	sadd.s32 s16, s12;
	[dreg:$0x13] =	wrdreg s13  }
0x1e: {  	s25 =	sadd.s32 s16, s11;
	s5 =	sshrl.u32 s19, $0x3;
	[dreg:$0x14] =	wrdreg s0  }
0x1f: {  	s16 =	simm.s32 $0x800;
	s8 =	simm.s32 $0xD;
	[dreg:$0x15] =	wrdreg s15  }
0x20: {  	s6 =	sadd.s32 s28, s12;
	s0 =	sadd.s32 s18, s11;
	[dreg:$0xe] =	wrdreg s9  }
0x21: {  	s22 =	sadd.s32 s5, s12;
	s26 =	sadd.s32 s5, s11;
	[dreg:$0x11] =	wrdreg s6  }
0x22: {  	s28 =	sadd.s32 $0x280, s2;
	s13 =	simm.s32 $0x1;
	[dreg:$0x17] =	wrdreg s0  }
.Ltmp0:
0x23: {  	s15 =	simm.s32 $0x3;
	[dreg:$0x18] =	wrdreg s22;
	(pc) =	sbr.rel .LBB2_1-.Ltmp0, $4  }
0x24: {  	s5 =	simm.s32 $0x180;
	s18 =	simm.s32 $0x0;
	[dreg:$0x19] =	wrdreg s26  }
0x25: {  	s6 =	sshrl.u32 s21, $0x3;
	[dreg:$0x1a] =	wrdreg s28;
	s21 =	simm.s32 $0x11  }
0x26: {  	s26 =	simm.s32 $0x4;
	s0 =	sadd.s32 s6, s12;
	s2 =	sadd.s32 s6, s11  }
0x27: {  	s11 =	simm.s32 $0x9;
	s6 =	simm.s32 $0x5;
	s12 =	simm.s32 $0xB  }
.LBB2_5:
0x28: {  	s7 =	simm.s32 $0xE  }
0x29: {  	_ =	swait.ge [sflag:s7], $0x2800  }
0x2a: {  	[sflag:s7] =	ssyncset.done $0x0  }
0x2b: {  	s19 =	simm.s32 $0xF;
	[sflag:s7] =	ssyncadd.s32 $0xFFFFD800  }
0x2c: {  	_ =	swait.ge [sflag:s19], $0x2800  }
0x2d: {  	[sflag:s19] =	ssyncset.done $0x0  }
0x2e: {  	s20 =	simm.s32 $0x10;
	[sflag:s19] =	ssyncadd.s32 $0xFFFFD800  }
0x2f: {  	_ =	swait.ge [sflag:s20], $0x2800  }
0x30: {  	[sflag:s20] =	ssyncset.done $0x0  }
0x31: {  	[sflag:s20] =	ssyncadd.s32 $0xFFFFD800  }
0x32: {  	_ =	swait.ge [sflag:s8], $0x2800  }
0x33: {  	[sflag:s8] =	ssyncset.done $0x0  }
0x34: {  	[sflag:s8] =	ssyncadd.s32 $0xFFFFD800  }
0x35: {  	[bflag:$0x0] =	sbarrier.arrive $0xFFFF  }
0x36: {  	s9 =	rddreg [dreg:$0xe]  }
0x37: {  	s21 =	rddreg [dreg:$0xf]  }
0x38: {  	s18 =	rddreg [dreg:$0x1c]  }
0x39: {  	[hbm:s21], [sflag:s9] =	dma.local [spmem:s18], $0x2800  }
0x3a: {  	s21 =	simm.s32 $0x11  }
0x3b: {  	_ =	swait.ge [sflag:s21], $0x2800  }
0x3c: {  	s22 =	rddreg [dreg:$0x1b]  }
0x3d: {  	s28 =	rddreg [dreg:$0x10];
	s18 =	sadd.s32 $0x1, s22  }
0x3e: {  	p0 =	sne.s32 s18, s28  }
.Ltmp1:
0x3f: {  	_ = 	snop;
	(pc) =	sbr.rel @!p0 .LBB2_6-.Ltmp1, $3  }
0x40: {  	_ =	sdelay $0x1  }
0x41: {  	[sflag:s21] =	ssyncset.done $0x0  }
0x42: {  	[sflag:s21] =	ssyncadd.s32 $0xFFFFD800  }
.LBB2_1:
0x43: {  	[dreg:$0x1b] =	wrdreg s18  }
0x44: {  	s7 =	rddreg [dreg:$0x7]  }
0x45: {  	[tilespmem:s4], [sflag:$0x1] =	stream.linear.gather [hbm4b:s7+s4], $0x50, $0x38;
	[tilespmem:$0x1E800] =	vst v63  }
0x46: {  	s18 =	rddreg [dreg:$0x8];
	s19 =	simm.s32 $0x400  }
0x47: {  	[tilespmem:s19], [sflag:$0x1] =	stream.linear.gather [hbm4b:s18+s4], $0x50, $0x38;
	[tilespmem:$0x1E800] =	vst v63  }
0x48: {  	s20 =	rddreg [dreg:$0x9];
	s18 =	simm.s32 $0x80  }
0x49: {  	[tilespmem:s18], [sflag:$0x2] =	stream.linear.gather [hbm4b:s20+s4], $0x50, $0x38;
	[tilespmem:$0x1E800] =	vst v63  }
0x4a: {  	s22 =	rddreg [dreg:$0xa];
	s19 =	simm.s32 $0x480  }
0x4b: {  	[tilespmem:s19], [sflag:$0x2] =	stream.linear.gather [hbm4b:s22+s4], $0x50, $0x38;
	[tilespmem:$0x1E800] =	vst v63  }
0x4c: {  	s20 =	rddreg [dreg:$0xb];
	s19 =	simm.s32 $0x100  }
0x4d: {  	[tilespmem:s19], [sflag:$0x3] =	stream.linear.gather [hbm4b:s20+s4], $0x50, $0x38;
	[tilespmem:$0x1E800] =	vst v63  }
0x4e: {  	s22 =	rddreg [dreg:$0xc];
	s20 =	simm.s32 $0x500  }
0x4f: {  	[tilespmem:s20], [sflag:$0x3] =	stream.linear.gather [hbm4b:s22+s4], $0x50, $0x38;
	[tilespmem:$0x1E800] =	vst v63  }
0x50: {  	s22 =	rddreg [dreg:$0xd]  }
0x51: {  	s7 =	sshrl.u32 s22, $0x3;
	s22 =	rddreg [dreg:$0x6]  }
0x52: {  	[dreg:$0x1c] =	wrdreg s7  }
0x53: {  	[spmem:s7], [sflag:s9] =	dma.local [hbm:s22], $0x2800  }
0x54: {  	_ =	swait.ge [sflag:s21], $0x2800  }
0x55: {  	[sflag:s21] =	ssyncset.done $0x0  }
0x56: {  	[sflag:s21] =	ssyncadd.s32 $0xFFFFD800  }
0x57: {  	_ =	swait.ge [sflag:s13], $0x50  }
0x58: {  	[sflag:s13] =	ssyncset.done $0x0  }
0x59: {  	[sflag:s13] =	ssyncadd.s32 $0xFFFFFFB0  }
0x5a: {  	_ =	swait.ge [sflag:s13], $0x50  }
0x5b: {  	[sflag:s13] =	ssyncset.done $0x0  }
0x5c: {  	[sflag:s13] =	ssyncadd.s32 $0xFFFFFFB0  }
0x5d: {  	[tilespmem:s16], [sflag:$0x9] =	stream.indirect.gather [hbm4b:s1+s14], $0x80, s4, s14, $0xb8;
	[tilespmem:$0x1E800] =	vst v63  }
0x5e: {  	_ =	swait.ge [sflag:s17], $0x50  }
0x5f: {  	[sflag:s17] =	ssyncset.done $0x0  }
0x60: {  	[sflag:s17] =	ssyncadd.s32 $0xFFFFFFB0  }
0x61: {  	_ =	swait.ge [sflag:s17], $0x50  }
0x62: {  	[sflag:s17] =	ssyncset.done $0x0  }
0x63: {  	[sflag:s17] =	ssyncadd.s32 $0xFFFFFFB0  }
0x64: {  	[tilespmem:s31], [sflag:$0xA] =	stream.indirect.gather [hbm4b:s1+s14], $0x80, s18, s14, $0xb8;
	[tilespmem:$0x1E800] =	vst v63  }
0x65: {  	_ =	swait.ge [sflag:s15], $0x50  }
0x66: {  	[sflag:s15] =	ssyncset.done $0x0  }
0x67: {  	[sflag:s15] =	ssyncadd.s32 $0xFFFFFFB0  }
0x68: {  	_ =	swait.ge [sflag:s15], $0x50  }
.Ltmp2:
0x69: {  	[sflag:s15] =	ssyncset.done $0x0;
	(pc) =	sbr.rel .LBB2_2-.Ltmp2, $4  }
0x6a: {  	s22 =	simm.s32 $0x5800;
	[sflag:s15] =	ssyncadd.s32 $0xFFFFFFB0  }
0x6b: {  	[tilespmem:s22], [sflag:$0xB] =	stream.indirect.gather [hbm4b:s1+s14], $0x80, s19, s14, $0xb8;
	[tilespmem:$0x1E800] =	vst v63  }
0x6c: {  	s28 =	simm.s32 $0x7;
	[bflag:$0x0] =	sbarrier.arrive $0xFFFF  }
0x6d: {  	s9 =	simm.s32 $0x0;
	s18 =	simm.s32 $0x0;
	s7 =	rddreg [dreg:$0x1a]  }
.LBB2_4:
0x6e: {  	s9 =	sadd.s32 $0x50, s9  }
0x6f: {  	p0 =	sne.s32 s9, $0x500  }
.Ltmp3:
0x70: {  	_ = 	snop;
	(pc) =	sbr.rel @!p0 .LBB2_5-.Ltmp3, $2  }
0x71: {  	_ =	sdelay $0x2  }
0x72: {  	s18 =	sadd.s32 $0x1, s18;
	s28 =	sadd.s32 $0x8, s28;
	s7 =	sadd.s32 $0x280, s7  }
.LBB2_2:
0x73: {  	_ =	swait.ge [sflag:s11], $0x2800  }
0x74: {  	[sflag:s11] =	ssyncset.done $0x0  }
0x75: {  	s19 =	sadd.s32 s9, s2;
	[sflag:s11] =	ssyncadd.s32 $0xFFFFD800  }
0x76: {  	[tilespmem:s5], [sflag:$0x4] =	stream.linear.gather [hbm4b:s19+s4], $0x50, $0x38;
	[tilespmem:$0x1E800] =	vst v63  }
0x77: {  	s22 =	sadd.s32 s9, s0;
	s20 =	simm.s32 $0x580;
	p0 =	seq.s32 s9, $0x0  }
0x78: {  	[tilespmem:s20], [sflag:$0x4] =	stream.linear.gather [hbm4b:s22+s4], $0x50, $0x38;
	[tilespmem:$0x1E800] =	vst v63  }
0x79: {  	s21 =	simm.s32 $0x400;
	s19 =	simm.s32 @!p0 $0x10  }
0x7a: {  	[spmem:s3] =	stream.indirect.scatter.add.f32 [tilespmem:s16], [sflag:$0xD], $0x80, s21, s14, $0xb8;
	[tilespmem:$0x1E800] =	vst v63  }
0x7b: {  	_ =	swait.ge @!p0 [sflag:s19], $0x2800  }
0x7c: {  	[sflag:s19] =	ssyncset.done @!p0 $0x0  }
0x7d: {  	[sflag:s19] =	ssyncadd.s32 @!p0 $0xFFFFD800  }
0x7e: {  	_ =	swait.ge [sflag:s26], $0x50  }
0x7f: {  	[sflag:s26] =	ssyncset.done $0x0  }
0x80: {  	[sflag:s26] =	ssyncadd.s32 $0xFFFFFFB0  }
0x81: {  	_ =	swait.ge [sflag:s26], $0x50  }
0x82: {  	[sflag:s26] =	ssyncset.done $0x0  }
0x83: {  	s22 =	simm.s32 $0x8000;
	[sflag:s26] =	ssyncadd.s32 $0xFFFFFFB0  }
0x84: {  	[tilespmem:s22], [sflag:$0xC] =	stream.indirect.gather [hbm4b:s1+s14], $0x80, s5, s14, $0xb8;
	[tilespmem:$0x1E800] =	vst v63  }
0x85: {  	_ =	swait.ge [sflag:s29], $0x2800  }
0x86: {  	[sflag:s29] =	ssyncset.done $0x0  }
0x87: {  	s20 =	sadd.s32 s9, s25;
	[sflag:s29] =	ssyncadd.s32 $0xFFFFD800  }
0x88: {  	[tilespmem:s30], [sflag:$0x5] =	stream.linear.gather [hbm4b:s20+s4], $0x50, $0x38;
	[tilespmem:$0x1E800] =	vst v63  }
0x89: {  	s21 =	sadd.s32 s9, s24;
	s22 =	simm.s32 $0x600  }
0x8a: {  	[tilespmem:s22], [sflag:$0x5] =	stream.linear.gather [hbm4b:s21+s4], $0x50, $0x38;
	[tilespmem:$0x1E800] =	vst v63  }
0x8b: {  	s20 =	simm.s32 $0x480  }
0x8c: {  	[spmem:s3] =	stream.indirect.scatter.add.f32 [tilespmem:s31], [sflag:$0xE], $0x80, s20, s14, $0xb8;
	[tilespmem:$0x1E800] =	vst v63  }
0x8d: {  	_ =	swait.ge [sflag:s8], $0x2800  }
0x8e: {  	[sflag:s8] =	ssyncset.done $0x0  }
0x8f: {  	[sflag:s8] =	ssyncadd.s32 $0xFFFFD800  }
0x90: {  	_ =	swait.ge [sflag:s6], $0x50  }
0x91: {  	[sflag:s6] =	ssyncset.done $0x0  }
0x92: {  	[sflag:s6] =	ssyncadd.s32 $0xFFFFFFB0  }
0x93: {  	_ =	swait.ge [sflag:s6], $0x50  }
0x94: {  	[sflag:s6] =	ssyncset.done $0x0  }
0x95: {  	s21 =	sadd.s32 $0xFFFFFFFE, s28;
	[sflag:s6] =	ssyncadd.s32 $0xFFFFFFB0  }
0x96: {  	[tilespmem:s16], [sflag:$0x9] =	stream.indirect.gather [hbm4b:s1+s14], $0x80, s30, s14, $0xb8;
	[tilespmem:$0x1E800] =	vst v63  }
0x97: {  	p0 =	sgt.u32 s21, $0x7C;
	_ =	swait.ge [sflag:s12], $0x2800  }
0x98: {  	s19 =	simm.s32 @p0 $0x50;
	[sflag:s12] =	ssyncset.done $0x0  }
0x99: {  	s20 =	simm.s32 @p0 $0x500;
	s21 =	simm.s32 @p0 $0x5800;
	[sflag:s12] =	ssyncadd.s32 $0xFFFFD800  }
0x9a: {  	[spmem:s3] =	stream.indirect.scatter.add.f32 @p0 [tilespmem:s21], [sflag:$0xF], $0x80, s20, s19, $0xb8;
	[tilespmem:$0x1E800] =	vst v63  }
0x9b: {  	s19 =	sadd.s32 @!p0 s9, s23;
	s20 =	simm.s32 @!p0 $0x0;
	s21 =	simm.s32 @!p0 $0x280  }
0x9c: {  	[tilespmem:s21], [sflag:$0x6] =	stream.linear.gather @!p0 [hbm4b:s19+s20], $0x50, $0x38;
	[tilespmem:$0x1E800] =	vst v63  }
0x9d: {  	s19 =	rddreg [dreg:$0x15]  }
0x9e: {  	s22 =	simm.s32 @!p0 $0x680;
	s19 =	sadd.s32 @!p0 s9, s19  }
0x9f: {  	[tilespmem:s22], [sflag:$0x6] =	stream.linear.gather @!p0 [hbm4b:s19+s20], $0x50, $0x38;
	[tilespmem:$0x1E800] =	vst v63  }
0xa0: {  	s19 =	simm.s32 @!p0 $0x50;
	s20 =	simm.s32 @!p0 $0x500;
	s22 =	simm.s32 @!p0 $0x5800  }
0xa1: {  	[spmem:s3] =	stream.indirect.scatter.add.f32 @!p0 [tilespmem:s22], [sflag:$0xF], $0x80, s20, s19, $0xb8;
	[tilespmem:$0x1E800] =	vst v63  }
0xa2: {  	s20 =	simm.s32 @!p0 $0xE  }
0xa3: {  	_ =	swait.ge @!p0 [sflag:s20], $0x2800  }
0xa4: {  	[sflag:s20] =	ssyncset.done @!p0 $0x0  }
0xa5: {  	[sflag:s20] =	ssyncadd.s32 @!p0 $0xFFFFD800;
	s20 =	simm.s32 @!p0 $0x6  }
0xa6: {  	_ =	swait.ge @!p0 [sflag:s20], $0x50  }
0xa7: {  	[sflag:s20] =	ssyncset.done @!p0 $0x0  }
0xa8: {  	[sflag:s20] =	ssyncadd.s32 @!p0 $0xFFFFFFB0  }
0xa9: {  	_ =	swait.ge @!p0 [sflag:s20], $0x50  }
0xaa: {  	[sflag:s20] =	ssyncset.done @!p0 $0x0  }
0xab: {  	s22 =	sadd.s32 $0xFFFFFFFF, s28;
	[sflag:s20] =	ssyncadd.s32 @!p0 $0xFFFFFFB0;
	s20 =	simm.s32 @!p0 $0x3000  }
0xac: {  	[tilespmem:s20], [sflag:$0xA] =	stream.indirect.gather @!p0 [hbm4b:s1+s19], $0x80, s21, s19, $0xb8;
	[tilespmem:$0x1E800] =	vst v63  }
0xad: {  	p0 =	sgt.u32 s22, $0x7C;
	_ =	swait.ge [sflag:s10], $0x2800  }
0xae: {  	s19 =	simm.s32 @p0 $0x50;
	[sflag:s10] =	ssyncset.done $0x0  }
0xaf: {  	s20 =	simm.s32 @p0 $0x580;
	s21 =	simm.s32 @p0 $0x8000;
	[sflag:s10] =	ssyncadd.s32 $0xFFFFD800  }
0xb0: {  	[spmem:s3] =	stream.indirect.scatter.add.f32 @p0 [tilespmem:s21], [sflag:$0x10], $0x80, s20, s19, $0xb8;
	[tilespmem:$0x1E800] =	vst v63  }
0xb1: {  	s19 =	rddreg [dreg:$0x14]  }
0xb2: {  	s20 =	simm.s32 @!p0 $0x0;
	s21 =	simm.s32 @!p0 $0x300;
	s19 =	sadd.s32 @!p0 s9, s19  }
0xb3: {  	[tilespmem:s21], [sflag:$0x7] =	stream.linear.gather @!p0 [hbm4b:s19+s20], $0x50, $0x38;
	[tilespmem:$0x1E800] =	vst v63  }
0xb4: {  	s19 =	rddreg [dreg:$0x13]  }
0xb5: {  	s22 =	simm.s32 @!p0 $0x700;
	s19 =	sadd.s32 @!p0 s9, s19  }
0xb6: {  	[tilespmem:s22], [sflag:$0x7] =	stream.linear.gather @!p0 [hbm4b:s19+s20], $0x50, $0x38;
	[tilespmem:$0x1E800] =	vst v63  }
0xb7: {  	s19 =	simm.s32 @!p0 $0x50;
	s20 =	simm.s32 @!p0 $0x580;
	s22 =	simm.s32 @!p0 $0x8000  }
0xb8: {  	[spmem:s3] =	stream.indirect.scatter.add.f32 @!p0 [tilespmem:s22], [sflag:$0x10], $0x80, s20, s19, $0xb8;
	[tilespmem:$0x1E800] =	vst v63  }
0xb9: {  	s20 =	simm.s32 @!p0 $0xF  }
0xba: {  	_ =	swait.ge @!p0 [sflag:s20], $0x2800  }
0xbb: {  	[sflag:s20] =	ssyncset.done @!p0 $0x0  }
0xbc: {  	[sflag:s20] =	ssyncadd.s32 @!p0 $0xFFFFD800;
	s20 =	simm.s32 @!p0 $0x7  }
0xbd: {  	_ =	swait.ge @!p0 [sflag:s20], $0x50  }
0xbe: {  	[sflag:s20] =	ssyncset.done @!p0 $0x0  }
0xbf: {  	[sflag:s20] =	ssyncadd.s32 @!p0 $0xFFFFFFB0  }
0xc0: {  	_ =	swait.ge @!p0 [sflag:s20], $0x50  }
0xc1: {  	[sflag:s20] =	ssyncset.done @!p0 $0x0  }
0xc2: {  	[sflag:s20] =	ssyncadd.s32 @!p0 $0xFFFFFFB0;
	s20 =	simm.s32 @!p0 $0x5800  }
0xc3: {  	[tilespmem:s20], [sflag:$0xB] =	stream.indirect.gather @!p0 [hbm4b:s1+s19], $0x80, s21, s19, $0xb8;
	[tilespmem:$0x1E800] =	vst v63  }
0xc4: {  	p0 =	sgt.u32 s28, $0x7C;
	_ =	swait.ge [sflag:s11], $0x2800  }
0xc5: {  	s19 =	simm.s32 @p0 $0x50;
	[sflag:s11] =	ssyncset.done $0x0  }
0xc6: {  	s20 =	simm.s32 @p0 $0x600;
	s21 =	simm.s32 @p0 $0x800;
	[sflag:s11] =	ssyncadd.s32 $0xFFFFD800  }
0xc7: {  	[spmem:s3] =	stream.indirect.scatter.add.f32 @p0 [tilespmem:s21], [sflag:$0xD], $0x80, s20, s19, $0xb8;
	[tilespmem:$0x1E800] =	vst v63  }
0xc8: {  	s19 =	rddreg [dreg:$0x12]  }
0xc9: {  	s20 =	simm.s32 @!p0 $0x0;
	s21 =	simm.s32 @!p0 $0x380;
	s19 =	sadd.s32 @!p0 s9, s19  }
0xca: {  	[tilespmem:s21], [sflag:$0x8] =	stream.linear.gather @!p0 [hbm4b:s19+s20], $0x50, $0x38;
	[tilespmem:$0x1E800] =	vst v63  }
0xcb: {  	s19 =	rddreg [dreg:$0x11]  }
0xcc: {  	s22 =	simm.s32 @!p0 $0x780;
	s19 =	sadd.s32 @!p0 s9, s19  }
0xcd: {  	[tilespmem:s22], [sflag:$0x8] =	stream.linear.gather @!p0 [hbm4b:s19+s20], $0x50, $0x38;
	[tilespmem:$0x1E800] =	vst v63  }
0xce: {  	s19 =	simm.s32 @!p0 $0x50;
	s20 =	simm.s32 @!p0 $0x600;
	s22 =	simm.s32 @!p0 $0x800  }
0xcf: {  	[spmem:s3] =	stream.indirect.scatter.add.f32 @!p0 [tilespmem:s22], [sflag:$0xD], $0x80, s20, s19, $0xb8;
	[tilespmem:$0x1E800] =	vst v63  }
0xd0: {  	s20 =	simm.s32 @!p0 $0x10  }
0xd1: {  	_ =	swait.ge @!p0 [sflag:s20], $0x2800  }
0xd2: {  	[sflag:s20] =	ssyncset.done @!p0 $0x0  }
0xd3: {  	[sflag:s20] =	ssyncadd.s32 @!p0 $0xFFFFD800;
	s20 =	simm.s32 @!p0 $0x8  }
0xd4: {  	_ =	swait.ge @!p0 [sflag:s20], $0x50  }
0xd5: {  	[sflag:s20] =	ssyncset.done @!p0 $0x0  }
0xd6: {  	[sflag:s20] =	ssyncadd.s32 @!p0 $0xFFFFFFB0  }
0xd7: {  	_ =	swait.ge @!p0 [sflag:s20], $0x50  }
0xd8: {  	[sflag:s20] =	ssyncset.done @!p0 $0x0  }
0xd9: {  	[sflag:s20] =	ssyncadd.s32 @!p0 $0xFFFFFFB0;
	s20 =	simm.s32 @!p0 $0x8000  }
0xda: {  	[tilespmem:s20], [sflag:$0xC] =	stream.indirect.gather @!p0 [hbm4b:s1+s19], $0x80, s21, s19, $0xb8;
	[tilespmem:$0x1E800] =	vst v63  }
0xdb: {  	p0 =	sgt.u32 s18, $0xE  }
.Ltmp4:
0xdc: {  	_ = 	snop;
	(pc) =	sbr.rel @p0 .LBB2_4-.Ltmp4, $1  }
0xdd: {  	_ =	sdelay $0x3  }
0xde: {  	_ =	swait.ge [sflag:s29], $0x2800  }
0xdf: {  	s19 =	sshrl.u32 s7, $0x3;
	[sflag:s29] =	ssyncset.done $0x0;
	s20 =	rddreg [dreg:$0x4]  }
0xe0: {  	s21 =	rddreg [dreg:$0x5];
	[sflag:s29] =	ssyncadd.s32 $0xFFFFD800;
	s20 =	sadd.s32 s20, s19  }
0xe1: {  	[tilespmem:s4], [sflag:$0x1] =	stream.linear.gather [hbm4b:s20+s4], $0x50, $0x38;
	[tilespmem:$0x1E800] =	vst v63  }
0xe2: {  	s22 =	simm.s32 $0x400;
	s19 =	sadd.s32 s21, s19  }
0xe3: {  	[tilespmem:s22], [sflag:$0x1] =	stream.linear.gather [hbm4b:s19+s4], $0x50, $0x38;
	[tilespmem:$0x1E800] =	vst v63  }
0xe4: {  	s20 =	simm.s32 $0x680  }
0xe5: {  	[spmem:s3] =	stream.indirect.scatter.add.f32 [tilespmem:s31], [sflag:$0xE], $0x80, s20, s14, $0xb8;
	[tilespmem:$0x1E800] =	vst v63  }
0xe6: {  	_ =	swait.ge [sflag:s8], $0x2800  }
0xe7: {  	[sflag:s8] =	ssyncset.done $0x0  }
0xe8: {  	[sflag:s8] =	ssyncadd.s32 $0xFFFFD800  }
0xe9: {  	_ =	swait.ge [sflag:s13], $0x50  }
0xea: {  	[sflag:s13] =	ssyncset.done $0x0  }
0xeb: {  	[sflag:s13] =	ssyncadd.s32 $0xFFFFFFB0  }
0xec: {  	_ =	swait.ge [sflag:s13], $0x50  }
0xed: {  	[sflag:s13] =	ssyncset.done $0x0  }
0xee: {  	[sflag:s13] =	ssyncadd.s32 $0xFFFFFFB0  }
0xef: {  	[tilespmem:s16], [sflag:$0x9] =	stream.indirect.gather [hbm4b:s1+s14], $0x80, s4, s14, $0xb8;
	[tilespmem:$0x1E800] =	vst v63  }
0xf0: {  	_ =	swait.ge [sflag:s12], $0x2800  }
0xf1: {  	s20 =	simm.s32 $0x80;
	[sflag:s12] =	ssyncset.done $0x0;
	s21 =	rddreg [dreg:$0x19]  }
0xf2: {  	s22 =	rddreg [dreg:$0x18];
	[sflag:s12] =	ssyncadd.s32 $0xFFFFD800;
	s19 =	sadd.s32 s9, s21  }
0xf3: {  	[tilespmem:s20], [sflag:$0x2] =	stream.linear.gather [hbm4b:s19+s4], $0x50, $0x38;
	[tilespmem:$0x1E800] =	vst v63  }
0xf4: {  	s21 =	simm.s32 $0x480;
	s19 =	sadd.s32 s9, s22  }
0xf5: {  	[tilespmem:s21], [sflag:$0x2] =	stream.linear.gather [hbm4b:s19+s4], $0x50, $0x38;
	[tilespmem:$0x1E800] =	vst v63  }
0xf6: {  	s22 =	simm.s32 $0x5800;
	s21 =	simm.s32 $0x700  }
0xf7: {  	[spmem:s3] =	stream.indirect.scatter.add.f32 [tilespmem:s22], [sflag:$0xF], $0x80, s21, s14, $0xb8;
	[tilespmem:$0x1E800] =	vst v63  }
0xf8: {  	s21 =	simm.s32 $0xE  }
0xf9: {  	_ =	swait.ge [sflag:s21], $0x2800  }
0xfa: {  	[sflag:s21] =	ssyncset.done $0x0  }
0xfb: {  	[sflag:s21] =	ssyncadd.s32 $0xFFFFD800  }
0xfc: {  	_ =	swait.ge [sflag:s17], $0x50  }
0xfd: {  	[sflag:s17] =	ssyncset.done $0x0  }
0xfe: {  	[sflag:s17] =	ssyncadd.s32 $0xFFFFFFB0  }
0xff: {  	_ =	swait.ge [sflag:s17], $0x50  }
0x100: {  	[sflag:s17] =	ssyncset.done $0x0  }
0x101: {  	[sflag:s17] =	ssyncadd.s32 $0xFFFFFFB0  }
0x102: {  	[tilespmem:s31], [sflag:$0xA] =	stream.indirect.gather [hbm4b:s1+s14], $0x80, s20, s14, $0xb8;
	[tilespmem:$0x1E800] =	vst v63  }
0x103: {  	_ =	swait.ge [sflag:s10], $0x2800  }
0x104: {  	s20 =	rddreg [dreg:$0x17]  }
0x105: {  	[sflag:s10] =	ssyncset.done $0x0;
	s21 =	rddreg [dreg:$0x16]  }
0x106: {  	[sflag:s10] =	ssyncadd.s32 $0xFFFFD800;
	s19 =	sadd.s32 s9, s20;
	s20 =	simm.s32 $0x100  }
0x107: {  	[tilespmem:s20], [sflag:$0x3] =	stream.linear.gather [hbm4b:s19+s4], $0x50, $0x38;
	[tilespmem:$0x1E800] =	vst v63  }
0x108: {  	s19 =	sadd.s32 s9, s21;
	s21 =	simm.s32 $0x500  }
0x109: {  	[tilespmem:s21], [sflag:$0x3] =	stream.linear.gather [hbm4b:s19+s4], $0x50, $0x38;
	[tilespmem:$0x1E800] =	vst v63  }
0x10a: {  	s19 =	simm.s32 $0x8000;
	s21 =	simm.s32 $0x780  }
0x10b: {  	[spmem:s3] =	stream.indirect.scatter.add.f32 [tilespmem:s19], [sflag:$0x10], $0x80, s21, s14, $0xb8;
	[tilespmem:$0x1E800] =	vst v63  }
0x10c: {  	s21 =	simm.s32 $0xF  }
0x10d: {  	_ =	swait.ge [sflag:s21], $0x2800  }
0x10e: {  	[sflag:s21] =	ssyncset.done $0x0  }
0x10f: {  	[sflag:s21] =	ssyncadd.s32 $0xFFFFD800  }
0x110: {  	_ =	swait.ge [sflag:s15], $0x50  }
0x111: {  	[sflag:s15] =	ssyncset.done $0x0  }
.Ltmp5:
0x112: {  	[sflag:s15] =	ssyncadd.s32 $0xFFFFFFB0;
	(pc) =	sbr.rel .LBB2_4-.Ltmp5, $4  }
0x113: {  	_ =	swait.ge [sflag:s15], $0x50  }
0x114: {  	[sflag:s15] =	ssyncset.done $0x0  }
0x115: {  	[sflag:s15] =	ssyncadd.s32 $0xFFFFFFB0  }
0x116: {  	[tilespmem:s22], [sflag:$0xB] =	stream.indirect.gather [hbm4b:s1+s14], $0x80, s20, s14, $0xb8;
	[tilespmem:$0x1E800] =	vst v63  }
.LBB2_6:
0x117: {  	_ =	sfence.sel $0x180000  }
0x118: {  	[bflag:$0x0] =	sbarrier.arrive $0xFFFF  }
0x119: {  	_ =	strace $0x90000047  }
0x11a: {  	s0 =	stileid.u32;
	[bflag:$0x2] =	sbarrier.arrive $0xFFFF  }
0x11b: {  	p0 =	sne.s32 s0, $0x0;
	s0 =	rddreg [dreg:$0x3]  }
0x11c: {  	s0 =	sadd.s32 @!p0 $0x100000, s0  }
0x11d: {  	[sflag:s0] =	ssyncadd.tile.s32 @!p0 $0x1;
	_ =	shalt  }
.Lfunc_end2:
_tile_overlayer_lowered:
.L_overlay_start_2:
0x11e: {  	(tag) =	ssettag $0x2  }
0x11f: {  	s0 =	rddreg [dreg:$0x0];
	s2 =	stileid.u32  }
0x120: {  	s1 =	rddreg [dreg:$0x1];
	p0 =	sne.s32 s2, $0x0  }
0x121: {  	s3 =	rddreg [dreg:$0x2];
	[bflag:$0x3] =	sbarrier.arrive $0xFFFF;
	s2 =	simm.s32 @!p0 $0x1C11  }
0x122: {  	[timem:s3], [sflag:s2] =	dma.local @!p0 [hbm:s0], s1  }
0x123: {  	s0 =	simm.s32 @!p0 $0x11  }
0x124: {  	_ =	swait.ge @!p0 [sflag:s0], s1  }
0x125: {  	s1 =	ssub.s32 @!p0 $0x0, s1;
	[sflag:s0] =	ssyncset.done @!p0 $0x0  }
0x126: {  	[sflag:s0] =	ssyncadd.s32 @!p0 s1  }
0x127: {  	[bflag:$0x3] =	sbarrier.arrive $0xFFFF  }
0x128: {  	_ =	shalt  }

</sc_bundles>
